<compile_context>
chip_gen: v7x
topology: tpu7x:2x2x1
jax: 0.10.2.dev20260603
libtpu: 0.0.44.dev20260713+nightly
codegen_flags: <defaults>
</compile_context>

<pallas_src>
import jax
import jax.numpy as jnp
from jax import lax
from jax.experimental import pallas as pl
from jax.experimental.pallas import tpu as pltpu
from jax.experimental.pallas import tpu_sc as plsc

N = 10000
HIDDEN = 64
NUM_GRAPHS = 64

_NC, _NS = 2, 16
_E = 320000
_C = 80
_NCHUNK = _E // _C
_NPAD = 10240
_RPT = _NPAD // _NS
_TW1 = 176
_TW2 = 80
_RB = 1024


def _leaky(v):
    return jnp.where(v > 0, v, 0.2 * v)


def _elu(v):
    return jnp.where(v > 0, v, jnp.exp(v) - 1.0)



def _deg_body(dst_hbm, zd_hbm, deg_out, dstv, onesv, deg_sh):
    c = lax.axis_index("c")
    s = lax.axis_index("s")
    wid = s * _NC + c
    cpw = _NCHUNK // (_NC * _NS)

    for i in range(_C // 16):
        onesv[pl.ds(i * 16, 16)] = jnp.ones((16,), jnp.float32)
    pltpu.sync_copy(zd_hbm, deg_sh.at[pl.ds(s * _RPT, _RPT)])
    plsc.subcore_barrier()

    def chunk(k, carry):
        pltpu.sync_copy(dst_hbm.at[pl.ds((wid * cpw + k) * _C, _C)], dstv)
        pltpu.sync_copy(onesv, deg_sh.at[dstv], add=True)
        return carry

    lax.fori_loop(0, cpw, chunk, 0)
    plsc.subcore_barrier()
    pltpu.sync_copy(deg_sh.at[pl.ds(s * _RPT, _RPT)],
                    deg_out.at[pl.ds(c * _NPAD + s * _RPT, _RPT)])


def _sc_degree(dst, zd):
    return pl.kernel(
        _deg_body,
        out_type=jax.ShapeDtypeStruct((_NC * _NPAD,), jnp.float32),
        mesh=plsc.VectorSubcoreMesh(core_axis_name="c", subcore_axis_name="s"),
        compiler_params=pltpu.CompilerParams(use_tc_tiling_on_sc=False),
        scratch_types=[
            pltpu.VMEM((_C,), jnp.int32),
            pltpu.VMEM((_C,), jnp.float32),
            pltpu.VMEM_SHARED((_NPAD,), jnp.float32),
        ],
    )(dst, zd)



def _pass1_body(src_hbm, dst_hbm, t0_hbm, t1_hbm, ad0_hbm, ad1_hbm, z1_hbm,
                p0_out, p1_out, srcv, dstv, rows, adv, acc_sh):
    c = lax.axis_index("c")
    s = lax.axis_index("s")
    cpt = _NCHUNK // _NS

    pltpu.sync_copy(z1_hbm, acc_sh.at[pl.ds(s * _RPT, _RPT)])
    plsc.subcore_barrier()

    def chunk(k, carry):
        base = (s * cpt + k) * _C
        pltpu.sync_copy(src_hbm.at[pl.ds(base, _C)], srcv)
        pltpu.sync_copy(dst_hbm.at[pl.ds(base, _C)], dstv)

        @pl.when(c == 0)
        def _():
            pltpu.sync_copy(t0_hbm.at[srcv], rows)
            pltpu.sync_copy(ad0_hbm.at[dstv], adv)

        @pl.when(c == 1)
        def _():
            pltpu.sync_copy(t1_hbm.at[srcv], rows)
            pltpu.sync_copy(ad1_hbm.at[dstv], adv)

        def edge(e, cc):
            wpk = jnp.exp(_leaky(rows[e, pl.ds(128, 16)] + adv[e, pl.ds(0, 16)]))
            rows[e, pl.ds(128, 16)] = wpk
            for j in range(8):
                rows[e, pl.ds(j * 16, 16)] = rows[e, pl.ds(j * 16, 16)] * wpk
            return cc

        lax.fori_loop(0, _C, edge, 0)
        pltpu.sync_copy(rows, acc_sh.at[dstv], add=True)
        return carry

    lax.fori_loop(0, cpt, chunk, 0)
    plsc.subcore_barrier()

    @pl.when(c == 0)
    def _():
        pltpu.sync_copy(acc_sh.at[pl.ds(s * _RPT, _RPT)],
                        p0_out.at[pl.ds(s * _RPT, _RPT)])

    @pl.when(c == 1)
    def _():
        pltpu.sync_copy(acc_sh.at[pl.ds(s * _RPT, _RPT)],
                        p1_out.at[pl.ds(s * _RPT, _RPT)])


def _sc_pass1(src, dst, t0, t1, ad0, ad1, z1):
    return pl.kernel(
        _pass1_body,
        out_type=(jax.ShapeDtypeStruct((_NPAD, _TW1), jnp.float32),
                  jax.ShapeDtypeStruct((_NPAD, _TW1), jnp.float32)),
        mesh=plsc.VectorSubcoreMesh(core_axis_name="c", subcore_axis_name="s"),
        compiler_params=pltpu.CompilerParams(use_tc_tiling_on_sc=False),
        scratch_types=[
            pltpu.VMEM((_C,), jnp.int32),
            pltpu.VMEM((_C,), jnp.int32),
            pltpu.VMEM((_C, _TW1), jnp.float32),
            pltpu.VMEM((_C, 16), jnp.float32),
            pltpu.VMEM_SHARED((_NPAD, _TW1), jnp.float32),
        ],
    )(src, dst, t0, t1, ad0, ad1, z1)



def _pass2_body(src_hbm, dst_hbm, t2_hbm, ad2_hbm, z2_hbm, p2_out,
                srcv, dstv, rows, adv, acc_sh):
    c = lax.axis_index("c")
    s = lax.axis_index("s")
    wid = s * _NC + c
    cpw = _NCHUNK // (_NC * _NS)

    pltpu.sync_copy(z2_hbm, acc_sh.at[pl.ds(s * _RPT, _RPT)])
    plsc.subcore_barrier()

    def chunk(k, carry):
        base = (wid * cpw + k) * _C
        pltpu.sync_copy(src_hbm.at[pl.ds(base, _C)], srcv)
        pltpu.sync_copy(dst_hbm.at[pl.ds(base, _C)], dstv)
        pltpu.sync_copy(t2_hbm.at[srcv], rows)
        pltpu.sync_copy(ad2_hbm.at[dstv], adv)

        def edge(e, cc):
            wv = jnp.exp(_leaky(rows[e, pl.ds(64, 16)] + adv[e, pl.ds(0, 16)]))
            rows[e, pl.ds(64, 16)] = wv
            for j in range(4):
                rows[e, pl.ds(j * 16, 16)] = rows[e, pl.ds(j * 16, 16)] * wv
            return cc

        lax.fori_loop(0, _C, edge, 0)
        pltpu.sync_copy(rows, acc_sh.at[dstv], add=True)
        return carry

    lax.fori_loop(0, cpw, chunk, 0)
    plsc.subcore_barrier()
    pltpu.sync_copy(acc_sh.at[pl.ds(s * _RPT, _RPT)],
                    p2_out.at[pl.ds(c * _NPAD + s * _RPT, _RPT)])


def _sc_pass2(src, dst, t2, ad2, z2):
    return pl.kernel(
        _pass2_body,
        out_type=jax.ShapeDtypeStruct((_NC * _NPAD, _TW2), jnp.float32),
        mesh=plsc.VectorSubcoreMesh(core_axis_name="c", subcore_axis_name="s"),
        compiler_params=pltpu.CompilerParams(use_tc_tiling_on_sc=False),
        scratch_types=[
            pltpu.VMEM((_C,), jnp.int32),
            pltpu.VMEM((_C,), jnp.int32),
            pltpu.VMEM((_C, _TW2), jnp.float32),
            pltpu.VMEM((_C, 16), jnp.float32),
            pltpu.VMEM_SHARED((_NPAD, _TW2), jnp.float32),
        ],
    )(src, dst, t2, ad2, z2)



def _rep8(col):
    return jnp.broadcast_to(col, (col.shape[0], 8))


def _interleave(ha, hb):
    parts = []
    for j in range(8):
        parts.append(ha[:, 8 * j:8 * j + 8])
        parts.append(hb[:, 8 * j:8 * j + 8])
    return jnp.concatenate(parts, axis=1)


def _pack2(a, b):
    return jnp.concatenate([_rep8(a), _rep8(b)], axis=1)


def _prep_kernel(x_ref, w1_ref, as_ref, adm_ref, wg_ref, degp_ref,
                 t0_ref, t1_ref, ad0_ref, ad1_ref, wself_ref, dinv_ref):
    xb = x_ref[...]
    h1 = xb @ w1_ref[...]
    asb = h1 @ as_ref[...]
    adb = h1 @ adm_ref[...]
    deg = degp_ref[0, :] + degp_ref[1, :] + 1.0
    dinv = lax.rsqrt(deg)
    hg = (xb @ wg_ref[...]) * dinv[:, None]
    t0_ref[...] = jnp.concatenate(
        [_interleave(h1[:, 0:64], h1[:, 64:128]),
         _pack2(asb[:, 0:1], asb[:, 1:2]), hg[:, 0:32]], axis=1)
    t1_ref[...] = jnp.concatenate(
        [_interleave(h1[:, 128:192], h1[:, 192:256]),
         _pack2(asb[:, 2:3], asb[:, 3:4]), hg[:, 32:64]], axis=1)
    ad0_ref[...] = jnp.concatenate([_pack2(adb[:, 0:1], adb[:, 1:2])], axis=1)
    ad1_ref[...] = jnp.concatenate([_pack2(adb[:, 2:3], adb[:, 3:4])], axis=1)
    wself_ref[...] = jnp.exp(_leaky(asb + adb))
    dinv_ref[...] = dinv


def _tc_prep(x, W1, A_s, A_d, Wg, deg2):
    grid = _NPAD // _RB
    return pl.pallas_call(
        _prep_kernel,
        grid=(grid,),
        in_specs=[
            pl.BlockSpec((_RB, 128), lambda i: (i, 0)),
            pl.BlockSpec((128, 256), lambda i: (0, 0)),
            pl.BlockSpec((256, 4), lambda i: (0, 0)),
            pl.BlockSpec((256, 4), lambda i: (0, 0)),
            pl.BlockSpec((128, 64), lambda i: (0, 0)),
            pl.BlockSpec((_NC, _RB), lambda i: (0, i)),
        ],
        out_specs=[
            pl.BlockSpec((_RB, _TW1), lambda i: (i, 0)),
            pl.BlockSpec((_RB, _TW1), lambda i: (i, 0)),
            pl.BlockSpec((_RB, 16), lambda i: (i, 0)),
            pl.BlockSpec((_RB, 16), lambda i: (i, 0)),
            pl.BlockSpec((_RB, 4), lambda i: (i, 0)),
            pl.BlockSpec((_RB,), lambda i: (i,)),
        ],
        out_shape=[
            jax.ShapeDtypeStruct((_NPAD, _TW1), jnp.float32),
            jax.ShapeDtypeStruct((_NPAD, _TW1), jnp.float32),
            jax.ShapeDtypeStruct((_NPAD, 16), jnp.float32),
            jax.ShapeDtypeStruct((_NPAD, 16), jnp.float32),
            jax.ShapeDtypeStruct((_NPAD, 4), jnp.float32),
            jax.ShapeDtypeStruct((_NPAD,), jnp.float32),
        ],
    )(x, W1, A_s, A_d, Wg, deg2)



def _mid_kernel(p0_ref, p1_ref, t0_ref, t1_ref, wself_ref, dinv_ref,
                b1_ref, w2_ref, as2_ref, ad2_ref, bg_ref,
                t2_ref, adt_ref, gc_ref, wself2_ref):
    p0 = p0_ref[...]
    p1 = p1_ref[...]
    t0 = t0_ref[...]
    t1 = t1_ref[...]
    wself = wself_ref[...]
    b1 = b1_ref[...]
    g1_parts = []
    for c, (pc, tc) in enumerate(((p0, t0), (p1, t1))):
        denp = _pack2(pc[:, 128:129] + wself[:, 2 * c:2 * c + 1],
                      pc[:, 136:137] + wself[:, 2 * c + 1:2 * c + 2]) + 1e-16
        wsp = _pack2(wself[:, 2 * c:2 * c + 1], wself[:, 2 * c + 1:2 * c + 2])
        den = jnp.tile(denp, (1, 8))
        ws = jnp.tile(wsp, (1, 8))
        acc = pc[:, 0:128] + ws * tc[:, 0:128]
        g1_parts.append(_elu(acc / den + b1[None, 128 * c:128 * c + 128]))
    g1 = jnp.concatenate(g1_parts, axis=1)
    h2 = g1 @ w2_ref[...]
    as2 = h2 @ as2_ref[...]
    ad2 = h2 @ ad2_ref[...]
    t2_ref[...] = jnp.concatenate([h2, jnp.broadcast_to(as2, (as2.shape[0], 16))],
                                  axis=1)
    adt_ref[...] = jnp.broadcast_to(ad2, (ad2.shape[0], 16))
    accg = jnp.concatenate([p0[:, 144:176], p1[:, 144:176]], axis=1)
    hgs = jnp.concatenate([t0[:, 144:176], t1[:, 144:176]], axis=1)
    dinv = dinv_ref[...]
    gc_ref[...] = jnp.maximum(dinv[:, None] * (accg + hgs) + bg_ref[...][None, :], 0.0)
    wself2_ref[...] = jnp.exp(_leaky(as2[:, 0] + ad2[:, 0]))


def _tc_mid(p0, p1, t0, t1, wself1, dinv, b1, W2, a_s2, a_d2, bg):
    grid = _NPAD // _RB
    return pl.pallas_call(
        _mid_kernel,
        grid=(grid,),
        in_specs=[
            pl.BlockSpec((_RB, _TW1), lambda i: (i, 0)),
            pl.BlockSpec((_RB, _TW1), lambda i: (i, 0)),
            pl.BlockSpec((_RB, _TW1), lambda i: (i, 0)),
            pl.BlockSpec((_RB, _TW1), lambda i: (i, 0)),
            pl.BlockSpec((_RB, 4), lambda i: (i, 0)),
            pl.BlockSpec((_RB,), lambda i: (i,)),
            pl.BlockSpec((256,), lambda i: (0,)),
            pl.BlockSpec((256, 64), lambda i: (0, 0)),
            pl.BlockSpec((64, 1), lambda i: (0, 0)),
            pl.BlockSpec((64, 1), lambda i: (0, 0)),
            pl.BlockSpec((64,), lambda i: (0,)),
        ],
        out_specs=[
            pl.BlockSpec((_RB, _TW2), lambda i: (i, 0)),
            pl.BlockSpec((_RB, 16), lambda i: (i, 0)),
            pl.BlockSpec((_RB, 64), lambda i: (i, 0)),
            pl.BlockSpec((_RB,), lambda i: (i,)),
        ],
        out_shape=[
            jax.ShapeDtypeStruct((_NPAD, _TW2), jnp.float32),
            jax.ShapeDtypeStruct((_NPAD, 16), jnp.float32),
            jax.ShapeDtypeStruct((_NPAD, 64), jnp.float32),
            jax.ShapeDtypeStruct((_NPAD,), jnp.float32),
        ],
    )(p0, p1, t0, t1, wself1, dinv, b1, W2, a_s2, a_d2, bg)



def _fin_kernel(p2a_ref, p2b_ref, t2_ref, wself2_ref, b2_ref, gc_ref,
                wf_ref, bf_ref, batch_ref, wc1_ref, bc1_ref, wc2_ref, bc2_ref,
                wp1_ref, bp1_ref, wp2_ref, bp2_ref,
                situ_ref, path_ref, s_acc, cnt_acc):
    i = pl.program_id(0)
    nsteps = pl.num_programs(0)

    @pl.when(i == 0)
    def _():
        s_acc[...] = jnp.zeros_like(s_acc)
        cnt_acc[...] = jnp.zeros_like(cnt_acc)

    h2 = t2_ref[...][:, 0:64]
    wself2 = wself2_ref[...]
    acc2 = p2a_ref[...][:, 0:64] + p2b_ref[...][:, 0:64] + wself2[:, None] * h2
    den2 = p2a_ref[...][:, 64] + p2b_ref[...][:, 64] + wself2 + 1e-16
    g2 = _elu(acc2 / den2[:, None] + b2_ref[...][None, :])
    wf = wf_ref[...]
    fused = jnp.maximum(g2 @ wf[0:64, :] + gc_ref[...] @ wf[64:128, :]
                        + bf_ref[...][None, :], 0.0)
    rb = fused.shape[0]
    rowid = i * rb + lax.broadcasted_iota(jnp.int32, (rb, 1), 0)[:, 0]
    valid = rowid < N
    batch = batch_ref[...]
    gids = lax.broadcasted_iota(jnp.int32, (rb, NUM_GRAPHS), 1)
    onehot = jnp.where((batch[:, None] == gids) & valid[:, None], 1.0, 0.0)
    s_acc[...] += jax.lax.dot_general(onehot, fused, (((0,), (0,)), ((), ())))
    cnt_acc[...] += jnp.sum(onehot, axis=0)

    @pl.when(i == nsteps - 1)
    def _():
        pooled = s_acc[...] / jnp.maximum(cnt_acc[...], 1.0)[:, None]
        hh1 = jnp.maximum(pooled @ wc1_ref[...] + bc1_ref[...][None, :], 0.0)
        situ_ref[...] = hh1 @ wc2_ref[...] + bc2_ref[...][None, :]
        hh2 = jnp.maximum(pooled @ wp1_ref[...] + bp1_ref[...][None, :], 0.0)
        path_ref[...] = hh2 @ wp2_ref[...] + bp2_ref[...][None, :]


def _tc_final(p2, t2e, wself2, b2, gc, Wf, bf, batch_pad,
              Wc1, bc1, Wc2, bc2, Wp1, bp1, Wp2, bp2):
    grid = _NPAD // _RB
    return pl.pallas_call(
        _fin_kernel,
        grid=(grid,),
        in_specs=[
            pl.BlockSpec((_RB, _TW2), lambda i: (i, 0)),
            pl.BlockSpec((_RB, _TW2), lambda i: (i + _NPAD // _RB, 0)),
            pl.BlockSpec((_RB, _TW2), lambda i: (i, 0)),
            pl.BlockSpec((_RB,), lambda i: (i,)),
            pl.BlockSpec((64,), lambda i: (0,)),
            pl.BlockSpec((_RB, 64), lambda i: (i, 0)),
            pl.BlockSpec((128, 64), lambda i: (0, 0)),
            pl.BlockSpec((64,), lambda i: (0,)),
            pl.BlockSpec((_RB,), lambda i: (i,)),
            pl.BlockSpec((64, 32), lambda i: (0, 0)),
            pl.BlockSpec((32,), lambda i: (0,)),
            pl.BlockSpec((32, 5), lambda i: (0, 0)),
            pl.BlockSpec((5,), lambda i: (0,)),
            pl.BlockSpec((64, 32), lambda i: (0, 0)),
            pl.BlockSpec((32,), lambda i: (0,)),
            pl.BlockSpec((32, 5), lambda i: (0, 0)),
            pl.BlockSpec((5,), lambda i: (0,)),
        ],
        out_specs=[
            pl.BlockSpec((NUM_GRAPHS, 5), lambda i: (0, 0)),
            pl.BlockSpec((NUM_GRAPHS, 5), lambda i: (0, 0)),
        ],
        out_shape=[
            jax.ShapeDtypeStruct((NUM_GRAPHS, 5), jnp.float32),
            jax.ShapeDtypeStruct((NUM_GRAPHS, 5), jnp.float32),
        ],
        scratch_shapes=[
            pltpu.VMEM((NUM_GRAPHS, 64), jnp.float32),
            pltpu.VMEM((NUM_GRAPHS,), jnp.float32),
        ],
    )(p2, p2, t2e, wself2, b2, gc, Wf, bf, batch_pad,
      Wc1, bc1, Wc2, bc2, Wp1, bp1, Wp2, bp2)




def kernel(x, edge_index, edge_attr, batch, W1, a_src1, a_dst1, b1, W2,
           a_src2, a_dst2, b2, Wg, bg, Wf, bf, Wc1, bc1, Wc2, bc2, Wp1, bp1,
           Wp2, bp2):
    src = edge_index[0]
    dst = edge_index[1]
    eye4 = jnp.eye(4, dtype=jnp.float32)
    A_s = (eye4[:, None, :] * a_src1[:, :, None]).reshape(256, 4)
    A_d = (eye4[:, None, :] * a_dst1[:, :, None]).reshape(256, 4)
    perm = [64 * (2 * (k // 128) + ((k % 16) >= 8)) + 8 * ((k % 128) // 16)
            + (k % 8) for k in range(256)]
    perm = jnp.array(perm, dtype=jnp.int32)
    W2p = W2[perm, :]
    b1p = b1[perm]
    x_pad = jnp.concatenate(
        [x, jnp.zeros((_NPAD - N, x.shape[1]), jnp.float32)])
    zd = jnp.zeros((_RPT,), jnp.float32)
    z1 = jnp.zeros((_RPT, _TW1), jnp.float32)
    z2 = jnp.zeros((_RPT, _TW2), jnp.float32)
    batch_pad = jnp.concatenate([batch, jnp.full((_NPAD - N,), -1, batch.dtype)])

    deg = _sc_degree(dst, zd).reshape(_NC, _NPAD)
    t0, t1, ad0, ad1, wself1, dinv = _tc_prep(x_pad, W1, A_s, A_d, Wg, deg)
    p0, p1 = _sc_pass1(src, dst, t0, t1, ad0, ad1, z1)
    t2e, ad2t, gc, wself2 = _tc_mid(p0, p1, t0, t1, wself1, dinv, b1p, W2p,
                                    a_src2.reshape(64, 1), a_dst2.reshape(64, 1),
                                    bg)
    p2 = _sc_pass2(src, dst, t2e, ad2t, z2)
    situ, path_mod = _tc_final(p2, t2e, wself2, b2, gc, Wf, bf, batch_pad,
                               Wc1, bc1, Wc2, bc2, Wp1, bp1, Wp2, bp2)
    return (situ, path_mod)

# --- scband reference (transcript-rebuilt; emitter-appended) ---
"""Pipeline reference for scband-scene-gcn-6262062317721 (READ-ONLY COPY).

The authoritative reference and input builder live on the scoring server;
editing this copy changes nothing except your own understanding.
"""

import jax, jax.numpy as jnp
import numpy as np

N = 10000
E = 320000
NODE_DIM = 128
EDGE_DIM = 16
HIDDEN = 64
NUM_CLASSES = 5
NUM_GRAPHS = 64


def _gat_conv(x, src, dst, W, a_src, a_dst, bias, heads, out_ch, concat):
    n = x.shape[0]
    loop = jnp.arange(n, dtype=src.dtype)
    src = jnp.concatenate([src, loop])
    dst = jnp.concatenate([dst, loop])
    h = (x @ W).reshape(n, heads, out_ch)
    alpha_src = jnp.sum(h * a_src[None, :, :], axis=-1)
    alpha_dst = jnp.sum(h * a_dst[None, :, :], axis=-1)
    e = jax.nn.leaky_relu(alpha_src[src] + alpha_dst[dst], negative_slope=0.2)
    m = jax.ops.segment_max(e, dst, num_segments=n)
    m = jnp.where(jnp.isfinite(m), m, 0.0)
    ex = jnp.exp(e - m[dst])
    denom = jax.ops.segment_sum(ex, dst, num_segments=n)
    attn = ex / (denom[dst] + 1e-16)
    out = jax.ops.segment_sum(h[src] * attn[:, :, None], dst, num_segments=n)
    if concat:
        out = out.reshape(n, heads * out_ch)
    else:
        out = out.mean(axis=1)
    return out + bias


def _gcn_conv(x, src, dst, W, bias):
    n = x.shape[0]
    loop = jnp.arange(n, dtype=src.dtype)
    src = jnp.concatenate([src, loop])
    dst = jnp.concatenate([dst, loop])
    h = x @ W
    deg = jax.ops.segment_sum(jnp.ones(dst.shape, h.dtype), dst, num_segments=n)
    dinv = jnp.where(deg > 0, deg ** -0.5, 0.0)
    norm = dinv[src] * dinv[dst]
    out = jax.ops.segment_sum(h[src] * norm[:, None], dst, num_segments=n)
    return out + bias


def _global_mean_pool(x, batch, num_graphs):
    s = jax.ops.segment_sum(x, batch, num_segments=num_graphs)
    cnt = jax.ops.segment_sum(jnp.ones((x.shape[0],), x.dtype), batch, num_segments=num_graphs)
    return s / jnp.maximum(cnt, 1.0)[:, None]


def setup_inputs(seed: int = 0) -> dict:
    key = jax.random.key(seed)
    ks = jax.random.split(key, 20)
    d = {}
    d["x"] = jax.random.normal(ks[0], (N, NODE_DIM), jnp.float32)
    d["edge_index"] = jax.random.randint(ks[1], (2, E), 0, N)
    d["edge_attr"] = jax.random.normal(ks[2], (E, EDGE_DIM), jnp.float32)
    d["batch"] = jnp.sort(jax.random.randint(ks[3], (N,), 0, NUM_GRAPHS))
    def p(k, shape):
        return jax.random.normal(k, shape, jnp.float32) * 0.1
    d["W1"] = p(ks[4], (NODE_DIM, 4 * HIDDEN))
    d["a_src1"] = p(ks[5], (4, HIDDEN))
    d["a_dst1"] = p(ks[6], (4, HIDDEN))
    d["b1"] = jnp.zeros((4 * HIDDEN,), jnp.float32)
    d["W2"] = p(ks[7], (4 * HIDDEN, HIDDEN))
    d["a_src2"] = p(ks[8], (1, HIDDEN))
    d["a_dst2"] = p(ks[9], (1, HIDDEN))
    d["b2"] = jnp.zeros((HIDDEN,), jnp.float32)
    d["Wg"] = p(ks[10], (NODE_DIM, HIDDEN))
    d["bg"] = jnp.zeros((HIDDEN,), jnp.float32)
    d["Wf"] = p(ks[11], (2 * HIDDEN, HIDDEN))
    d["bf"] = jnp.zeros((HIDDEN,), jnp.float32)
    d["Wc1"] = p(ks[12], (HIDDEN, 32))
    d["bc1"] = jnp.zeros((32,), jnp.float32)
    d["Wc2"] = p(ks[13], (32, NUM_CLASSES))
    d["bc2"] = jnp.zeros((NUM_CLASSES,), jnp.float32)
    d["Wp1"] = p(ks[14], (HIDDEN, 32))
    d["bp1"] = jnp.zeros((32,), jnp.float32)
    d["Wp2"] = p(ks[15], (32, 5))
    d["bp2"] = jnp.zeros((5,), jnp.float32)
    return d


def reference(x, edge_index, edge_attr, batch, W1, a_src1, a_dst1, b1, W2, a_src2, a_dst2, b2, Wg, bg, Wf, bf, Wc1, bc1, Wc2, bc2, Wp1, bp1, Wp2, bp2):
    src, dst = edge_index[0], edge_index[1]
    g1 = jax.nn.elu(_gat_conv(x, src, dst, W1, a_src1, a_dst1, b1, 4, HIDDEN, True))
    g2 = jax.nn.elu(_gat_conv(g1, src, dst, W2, a_src2, a_dst2, b2, 1, HIDDEN, False))
    gc = jax.nn.relu(_gcn_conv(x, src, dst, Wg, bg))
    fused = jax.nn.relu(jnp.concatenate([g2, gc], axis=-1) @ Wf + bf)
    pooled = _global_mean_pool(fused, batch, NUM_GRAPHS)
    h1 = jax.nn.relu(pooled @ Wc1 + bc1)
    situ = h1 @ Wc2 + bc2
    h2 = jax.nn.relu(pooled @ Wp1 + bp1)
    path_mod = h2 @ Wp2 + bp2
    return (situ, path_mod)

if __name__ == "__main__":
    import jax
    _d = setup_inputs()
    print(jax.jit(kernel)(*tuple(_d.values())))

</pallas_src>

<mosaic_0001>
#map = affine_map<(d0, d1) -> (0)>
#map1 = affine_map<(d0, d1) -> (0, 0)>
module attributes {stable_mosaic.version = 14 : i64} {
  func.func @_pass2_body(%arg0: i32, %arg1: i32, %arg2: memref<320000xi32, #tpu.memory_space<hbm>>, %arg3: memref<320000xi32, #tpu.memory_space<hbm>>, %arg4: memref<10240x80xf32, #tpu.memory_space<hbm>>, %arg5: memref<10240x16xf32, #tpu.memory_space<hbm>>, %arg6: memref<640x80xf32, #tpu.memory_space<hbm>>, %arg7: memref<20480x80xf32, #tpu.memory_space<hbm>>, %arg8: memref<80xi32, #tpu.memory_space<vmem>>, %arg9: memref<80xi32, #tpu.memory_space<vmem>>, %arg10: memref<80x80xf32, #tpu.memory_space<vmem>>, %arg11: memref<80x16xf32, #tpu.memory_space<vmem>>, %arg12: memref<10240x80xf32, #tpu.memory_space<vmem_shared>>) attributes {dimension_semantics = [#tpu.dimension_semantics<core_parallel>, #tpu.dimension_semantics<subcore_parallel>], iteration_bounds = array<i64: 2, 16>, scalar_prefetch = 0 : i64, scratch_operands = 5 : i64, tpu.core_type = #tpu.core_type<sc_vector_subcore>, window_params = [{transform_indices = #map}, {transform_indices = #map}, {transform_indices = #map1}, {transform_indices = #map1}, {transform_indices = #map1}, {transform_indices = #map1}]} {
    %mul3A = arith.constant 2 : i32
    %mul3A_0 = arith.muli %arg1, %mul3A : i32
    %add3A = arith.addi %mul3A_0, %arg0 : i32
    %mul3A_1 = arith.constant 640 : i32
    %mul3A_2 = arith.muli %arg1, %mul3A_1 : i32
    "tpu.region"() ({
      %run_scoped3A = tpu.sem_alloc : memref<!tpu.dma_semaphore, #tpu.memory_space<semaphore_mem>>
      %dma_start3A = arith.constant 0 : i32
      %dma_start3A_16 = tpu.memref_slice %arg12[%mul3A_2, %dma_start3A] : memref<10240x80xf32, #tpu.memory_space<vmem_shared>> -> memref<640x80xf32, #tpu.memory_space<vmem_shared>>
      tpu.enqueue_dma source(%arg6 : memref<640x80xf32, #tpu.memory_space<hbm>>) target(%dma_start3A_16 : memref<640x80xf32, #tpu.memory_space<vmem_shared>>) target_semaphore(%run_scoped3A : memref<!tpu.dma_semaphore, #tpu.memory_space<semaphore_mem>>)
      %dma_wait3A = arith.constant 0 : i32
      %dma_wait3A_17 = tpu.memref_slice %arg12[%mul3A_2, %dma_wait3A] : memref<10240x80xf32, #tpu.memory_space<vmem_shared>> -> memref<640x80xf32, #tpu.memory_space<vmem_shared>>
      tpu.wait_dma2 semaphore(%run_scoped3A : memref<!tpu.dma_semaphore, #tpu.memory_space<semaphore_mem>>) src(%arg6 : memref<640x80xf32, #tpu.memory_space<hbm>>) dst(%dma_wait3A_17 : memref<640x80xf32, #tpu.memory_space<vmem_shared>>)
      tpu.yield
    }) : () -> ()
    %barrier3A = arith.constant 0 : index
    tpu.barrier barrier_id(%barrier3A)
    %scan3A = arith.constant 0 : i32
    %scan3A_3 = arith.constant 0 : i32
    %scan3A_4 = arith.constant 125 : i32
    %scan3A_5 = arith.addi %scan3A_3, %scan3A_4 : i32
    %scan3A_6 = arith.constant 1 : i32
    scf.for %scan3A_16 = %scan3A_3 to %scan3A_5 step %scan3A_6  : i32 {
      %mul3A_17 = arith.constant 125 : i32
      %mul3A_18 = arith.muli %add3A, %mul3A_17 : i32
      %add3A_19 = arith.addi %mul3A_18, %scan3A_16 : i32
      %mul3A_20 = arith.constant 80 : i32
      %mul3A_21 = arith.muli %add3A_19, %mul3A_20 : i32
      "tpu.region"() ({
        %run_scoped3A = tpu.sem_alloc : memref<!tpu.dma_semaphore, #tpu.memory_space<semaphore_mem>>
        %dma_start3A = tpu.memref_slice %arg2[%mul3A_21] : memref<320000xi32, #tpu.memory_space<hbm>> -> memref<80xi32, #tpu.memory_space<hbm>>
        %dma_start3A_28 = tpu.memref_slice %arg2[%mul3A_21] : memref<320000xi32, #tpu.memory_space<hbm>> -> memref<80xi32, #tpu.memory_space<hbm>>
        tpu.enqueue_dma source(%dma_start3A_28 : memref<80xi32, #tpu.memory_space<hbm>>) target(%arg8 : memref<80xi32, #tpu.memory_space<vmem>>) target_semaphore(%run_scoped3A : memref<!tpu.dma_semaphore, #tpu.memory_space<semaphore_mem>>)
        %dma_wait3A = tpu.memref_slice %arg2[%mul3A_21] : memref<320000xi32, #tpu.memory_space<hbm>> -> memref<80xi32, #tpu.memory_space<hbm>>
        %dma_wait3A_29 = tpu.memref_slice %arg2[%mul3A_21] : memref<320000xi32, #tpu.memory_space<hbm>> -> memref<80xi32, #tpu.memory_space<hbm>>
        tpu.wait_dma2 semaphore(%run_scoped3A : memref<!tpu.dma_semaphore, #tpu.memory_space<semaphore_mem>>) src(%dma_wait3A_29 : memref<80xi32, #tpu.memory_space<hbm>>) dst(%arg8 : memref<80xi32, #tpu.memory_space<vmem>>)
        tpu.yield
      }) : () -> ()
      "tpu.region"() ({
        %run_scoped3A = tpu.sem_alloc : memref<!tpu.dma_semaphore, #tpu.memory_space<semaphore_mem>>
        %dma_start3A = tpu.memref_slice %arg3[%mul3A_21] : memref<320000xi32, #tpu.memory_space<hbm>> -> memref<80xi32, #tpu.memory_space<hbm>>
        %dma_start3A_28 = tpu.memref_slice %arg3[%mul3A_21] : memref<320000xi32, #tpu.memory_space<hbm>> -> memref<80xi32, #tpu.memory_space<hbm>>
        tpu.enqueue_dma source(%dma_start3A_28 : memref<80xi32, #tpu.memory_space<hbm>>) target(%arg9 : memref<80xi32, #tpu.memory_space<vmem>>) target_semaphore(%run_scoped3A : memref<!tpu.dma_semaphore, #tpu.memory_space<semaphore_mem>>)
        %dma_wait3A = tpu.memref_slice %arg3[%mul3A_21] : memref<320000xi32, #tpu.memory_space<hbm>> -> memref<80xi32, #tpu.memory_space<hbm>>
        %dma_wait3A_29 = tpu.memref_slice %arg3[%mul3A_21] : memref<320000xi32, #tpu.memory_space<hbm>> -> memref<80xi32, #tpu.memory_space<hbm>>
        tpu.wait_dma2 semaphore(%run_scoped3A : memref<!tpu.dma_semaphore, #tpu.memory_space<semaphore_mem>>) src(%dma_wait3A_29 : memref<80xi32, #tpu.memory_space<hbm>>) dst(%arg9 : memref<80xi32, #tpu.memory_space<vmem>>)
        tpu.yield
      }) : () -> ()
      "tpu.region"() ({
        %run_scoped3A = tpu.sem_alloc : memref<!tpu.dma_semaphore, #tpu.memory_space<semaphore_mem>>
        %dma_start3A = arith.constant 0 : i32
        %dma_start3A_28 = arith.constant 0 : i32
        %dma_start3A_29 = tpu.memref_slice %arg4[%dma_start3A, %dma_start3A_28] : memref<10240x80xf32, #tpu.memory_space<hbm>> -> memref<10240x80xf32, #tpu.memory_space<hbm>>
        tpu.enqueue_indirect_dma source(%dma_start3A_29 : memref<10240x80xf32, #tpu.memory_space<hbm>>) target(%arg10 : memref<80x80xf32, #tpu.memory_space<vmem>>) offsets(%arg8 : memref<80xi32, #tpu.memory_space<vmem>>) semaphore(%run_scoped3A : memref<!tpu.dma_semaphore, #tpu.memory_space<semaphore_mem>>)
        %dma_wait3A = arith.constant 0 : i32
        %dma_wait3A_30 = arith.constant 0 : i32
        %dma_wait3A_31 = tpu.memref_slice %arg4[%dma_wait3A, %dma_wait3A_30] : memref<10240x80xf32, #tpu.memory_space<hbm>> -> memref<10240x80xf32, #tpu.memory_space<hbm>>
        tpu.wait_indirect_dma semaphore(%run_scoped3A : memref<!tpu.dma_semaphore, #tpu.memory_space<semaphore_mem>>) src(%dma_wait3A_31 : memref<10240x80xf32, #tpu.memory_space<hbm>>) dst(%arg10 : memref<80x80xf32, #tpu.memory_space<vmem>>)
        tpu.yield
      }) : () -> ()
      "tpu.region"() ({
        %run_scoped3A = tpu.sem_alloc : memref<!tpu.dma_semaphore, #tpu.memory_space<semaphore_mem>>
        %dma_start3A = arith.constant 0 : i32
        %dma_start3A_28 = arith.constant 0 : i32
        %dma_start3A_29 = tpu.memref_slice %arg5[%dma_start3A, %dma_start3A_28] : memref<10240x16xf32, #tpu.memory_space<hbm>> -> memref<10240x16xf32, #tpu.memory_space<hbm>>
        tpu.enqueue_indirect_dma source(%dma_start3A_29 : memref<10240x16xf32, #tpu.memory_space<hbm>>) target(%arg11 : memref<80x16xf32, #tpu.memory_space<vmem>>) offsets(%arg9 : memref<80xi32, #tpu.memory_space<vmem>>) semaphore(%run_scoped3A : memref<!tpu.dma_semaphore, #tpu.memory_space<semaphore_mem>>)
        %dma_wait3A = arith.constant 0 : i32
        %dma_wait3A_30 = arith.constant 0 : i32
        %dma_wait3A_31 = tpu.memref_slice %arg5[%dma_wait3A, %dma_wait3A_30] : memref<10240x16xf32, #tpu.memory_space<hbm>> -> memref<10240x16xf32, #tpu.memory_space<hbm>>
        tpu.wait_indirect_dma semaphore(%run_scoped3A : memref<!tpu.dma_semaphore, #tpu.memory_space<semaphore_mem>>) src(%dma_wait3A_31 : memref<10240x16xf32, #tpu.memory_space<hbm>>) dst(%arg11 : memref<80x16xf32, #tpu.memory_space<vmem>>)
        tpu.yield
      }) : () -> ()
      %scan3A_22 = arith.constant 0 : i32
      %scan3A_23 = arith.constant 0 : i32
      %scan3A_24 = arith.constant 80 : i32
      %scan3A_25 = arith.addi %scan3A_23, %scan3A_24 : i32
      %scan3A_26 = arith.constant 1 : i32
      scf.for %scan3A_28 = %scan3A_23 to %scan3A_25 step %scan3A_26  : i32 {
        %get3A = arith.index_cast %scan3A_28 : i32 to index
        %get3A_29 = arith.constant 64 : index
        %get3A_30 = tpu.vector_load %arg10[%get3A, %get3A_29] {strides = array<i32>} : memref<80x80xf32, #tpu.memory_space<vmem>>, vector<1x16xf32>,
        %get3A_31 = vector.shape_cast %get3A_30 : vector<1x16xf32> to vector<16xf32>
        %get3A_32 = arith.index_cast %scan3A_28 : i32 to index
        %get3A_33 = arith.constant 0 : index
        %get3A_34 = tpu.vector_load %arg11[%get3A_32, %get3A_33] {strides = array<i32>} : memref<80x16xf32, #tpu.memory_space<vmem>>, vector<1x16xf32>,
        %get3A_35 = vector.shape_cast %get3A_34 : vector<1x16xf32> to vector<16xf32>
        %add3A_36 = arith.addf %get3A_31, %get3A_35 : vector<16xf32>
        %gt3A = arith.constant 0.000000e+00 : f32
        %gt3A_37 = vector.broadcast %gt3A : f32 to vector<16xf32>
        %gt3A_38 = arith.cmpf ogt, %add3A_36, %gt3A_37 : vector<16xf32>
        %mul3A_39 = arith.constant 2.000000e-01 : f32
        %mul3A_40 = vector.broadcast %mul3A_39 : f32 to vector<16xf32>
        %mul3A_41 = arith.mulf %mul3A_40, %add3A_36 : vector<16xf32>
        %select_n3A = arith.select %gt3A_38, %add3A_36, %mul3A_41 : vector<16xi1>, vector<16xf32>
        %exp3A = math.exp %select_n3A : vector<16xf32>
        %swap3A = arith.index_cast %scan3A_28 : i32 to index
        %swap3A_42 = arith.constant 64 : index
        %swap3A_43 = tpu.vector_load %arg10[%swap3A, %swap3A_42] {strides = array<i32>} : memref<80x80xf32, #tpu.memory_space<vmem>>, vector<1x16xf32>,
        %swap3A_44 = vector.shape_cast %swap3A_43 : vector<1x16xf32> to vector<16xf32>
        %swap3A_45 = vector.shape_cast %exp3A : vector<16xf32> to vector<1x16xf32>
        tpu.vector_store %arg10[%swap3A, %swap3A_42], %swap3A_45 {strides = array<i32>} : memref<80x80xf32, #tpu.memory_space<vmem>>, vector<1x16xf32>,
        %get3A_46 = arith.index_cast %scan3A_28 : i32 to index
        %get3A_47 = arith.constant 0 : index
        %get3A_48 = tpu.vector_load %arg10[%get3A_46, %get3A_47] {strides = array<i32>} : memref<80x80xf32, #tpu.memory_space<vmem>>, vector<1x16xf32>,
        %get3A_49 = vector.shape_cast %get3A_48 : vector<1x16xf32> to vector<16xf32>
        %mul3A_50 = arith.mulf %get3A_49, %exp3A : vector<16xf32>
        %swap3A_51 = arith.index_cast %scan3A_28 : i32 to index
        %swap3A_52 = arith.constant 0 : index
        %swap3A_53 = tpu.vector_load %arg10[%swap3A_51, %swap3A_52] {strides = array<i32>} : memref<80x80xf32, #tpu.memory_space<vmem>>, vector<1x16xf32>,
        %swap3A_54 = vector.shape_cast %swap3A_53 : vector<1x16xf32> to vector<16xf32>
        %swap3A_55 = vector.shape_cast %mul3A_50 : vector<16xf32> to vector<1x16xf32>
        tpu.vector_store %arg10[%swap3A_51, %swap3A_52], %swap3A_55 {strides = array<i32>} : memref<80x80xf32, #tpu.memory_space<vmem>>, vector<1x16xf32>,
        %get3A_56 = arith.index_cast %scan3A_28 : i32 to index
        %get3A_57 = arith.constant 16 : index
        %get3A_58 = tpu.vector_load %arg10[%get3A_56, %get3A_57] {strides = array<i32>} : memref<80x80xf32, #tpu.memory_space<vmem>>, vector<1x16xf32>,
        %get3A_59 = vector.shape_cast %get3A_58 : vector<1x16xf32> to vector<16xf32>
        %mul3A_60 = arith.mulf %get3A_59, %exp3A : vector<16xf32>
        %swap3A_61 = arith.index_cast %scan3A_28 : i32 to index
        %swap3A_62 = arith.constant 16 : index
        %swap3A_63 = tpu.vector_load %arg10[%swap3A_61, %swap3A_62] {strides = array<i32>} : memref<80x80xf32, #tpu.memory_space<vmem>>, vector<1x16xf32>,
        %swap3A_64 = vector.shape_cast %swap3A_63 : vector<1x16xf32> to vector<16xf32>
        %swap3A_65 = vector.shape_cast %mul3A_60 : vector<16xf32> to vector<1x16xf32>
        tpu.vector_store %arg10[%swap3A_61, %swap3A_62], %swap3A_65 {strides = array<i32>} : memref<80x80xf32, #tpu.memory_space<vmem>>, vector<1x16xf32>,
        %get3A_66 = arith.index_cast %scan3A_28 : i32 to index
        %get3A_67 = arith.constant 32 : index
        %get3A_68 = tpu.vector_load %arg10[%get3A_66, %get3A_67] {strides = array<i32>} : memref<80x80xf32, #tpu.memory_space<vmem>>, vector<1x16xf32>,
        %get3A_69 = vector.shape_cast %get3A_68 : vector<1x16xf32> to vector<16xf32>
        %mul3A_70 = arith.mulf %get3A_69, %exp3A : vector<16xf32>
        %swap3A_71 = arith.index_cast %scan3A_28 : i32 to index
        %swap3A_72 = arith.constant 32 : index
        %swap3A_73 = tpu.vector_load %arg10[%swap3A_71, %swap3A_72] {strides = array<i32>} : memref<80x80xf32, #tpu.memory_space<vmem>>, vector<1x16xf32>,
        %swap3A_74 = vector.shape_cast %swap3A_73 : vector<1x16xf32> to vector<16xf32>
        %swap3A_75 = vector.shape_cast %mul3A_70 : vector<16xf32> to vector<1x16xf32>
        tpu.vector_store %arg10[%swap3A_71, %swap3A_72], %swap3A_75 {strides = array<i32>} : memref<80x80xf32, #tpu.memory_space<vmem>>, vector<1x16xf32>,
        %get3A_76 = arith.index_cast %scan3A_28 : i32 to index
        %get3A_77 = arith.constant 48 : index
        %get3A_78 = tpu.vector_load %arg10[%get3A_76, %get3A_77] {strides = array<i32>} : memref<80x80xf32, #tpu.memory_space<vmem>>, vector<1x16xf32>,
        %get3A_79 = vector.shape_cast %get3A_78 : vector<1x16xf32> to vector<16xf32>
        %mul3A_80 = arith.mulf %get3A_79, %exp3A : vector<16xf32>
        %swap3A_81 = arith.index_cast %scan3A_28 : i32 to index
        %swap3A_82 = arith.constant 48 : index
        %swap3A_83 = tpu.vector_load %arg10[%swap3A_81, %swap3A_82] {strides = array<i32>} : memref<80x80xf32, #tpu.memory_space<vmem>>, vector<1x16xf32>,
        %swap3A_84 = vector.shape_cast %swap3A_83 : vector<1x16xf32> to vector<16xf32>
        %swap3A_85 = vector.shape_cast %mul3A_80 : vector<16xf32> to vector<1x16xf32>
        tpu.vector_store %arg10[%swap3A_81, %swap3A_82], %swap3A_85 {strides = array<i32>} : memref<80x80xf32, #tpu.memory_space<vmem>>, vector<1x16xf32>,
      }
      %scan3A_27 = arith.constant 80 : i32
      "tpu.region"() ({
        %run_scoped3A = tpu.sem_alloc : memref<!tpu.dma_semaphore, #tpu.memory_space<semaphore_mem>>
        %dma_start3A = arith.constant 0 : i32
        %dma_start3A_28 = arith.constant 0 : i32
        %dma_start3A_29 = tpu.memref_slice %arg12[%dma_start3A, %dma_start3A_28] : memref<10240x80xf32, #tpu.memory_space<vmem_shared>> -> memref<10240x80xf32, #tpu.memory_space<vmem_shared>>
        tpu.enqueue_indirect_dma source(%arg10 : memref<80x80xf32, #tpu.memory_space<vmem>>) target(%dma_start3A_29 : memref<10240x80xf32, #tpu.memory_space<vmem_shared>>) offsets(%arg9 : memref<80xi32, #tpu.memory_space<vmem>>) semaphore(%run_scoped3A : memref<!tpu.dma_semaphore, #tpu.memory_space<semaphore_mem>>) {add = true}
        %dma_wait3A = arith.constant 0 : i32
        %dma_wait3A_30 = arith.constant 0 : i32
        %dma_wait3A_31 = tpu.memref_slice %arg12[%dma_wait3A, %dma_wait3A_30] : memref<10240x80xf32, #tpu.memory_space<vmem_shared>> -> memref<10240x80xf32, #tpu.memory_space<vmem_shared>>
        tpu.wait_indirect_dma semaphore(%run_scoped3A : memref<!tpu.dma_semaphore, #tpu.memory_space<semaphore_mem>>) src(%arg10 : memref<80x80xf32, #tpu.memory_space<vmem>>) dst(%dma_wait3A_31 : memref<10240x80xf32, #tpu.memory_space<vmem_shared>>)
        tpu.yield
      }) : () -> ()
    }
    %scan3A_7 = arith.constant 125 : i32
    %barrier3A_8 = arith.constant 0 : index
    tpu.barrier barrier_id(%barrier3A_8)
    %mul3A_9 = arith.constant 640 : i32
    %mul3A_10 = arith.muli %arg1, %mul3A_9 : i32
    %mul3A_11 = arith.constant 10240 : i32
    %mul3A_12 = arith.muli %arg0, %mul3A_11 : i32
    %mul3A_13 = arith.constant 640 : i32
    %mul3A_14 = arith.muli %arg1, %mul3A_13 : i32
    %add3A_15 = arith.addi %mul3A_12, %mul3A_14 : i32
    "tpu.region"() ({
      %run_scoped3A = tpu.sem_alloc : memref<!tpu.dma_semaphore, #tpu.memory_space<semaphore_mem>>
      %dma_start3A = arith.constant 0 : i32
      %dma_start3A_16 = tpu.memref_slice %arg7[%add3A_15, %dma_start3A] : memref<20480x80xf32, #tpu.memory_space<hbm>> -> memref<640x80xf32, #tpu.memory_space<hbm>>
      %dma_start3A_17 = arith.constant 0 : i32
      %dma_start3A_18 = tpu.memref_slice %arg12[%mul3A_10, %dma_start3A_17] : memref<10240x80xf32, #tpu.memory_space<vmem_shared>> -> memref<640x80xf32, #tpu.memory_space<vmem_shared>>
      tpu.enqueue_dma source(%dma_start3A_18 : memref<640x80xf32, #tpu.memory_space<vmem_shared>>) target(%dma_start3A_16 : memref<640x80xf32, #tpu.memory_space<hbm>>) target_semaphore(%run_scoped3A : memref<!tpu.dma_semaphore, #tpu.memory_space<semaphore_mem>>)
      %dma_wait3A = arith.constant 0 : i32
      %dma_wait3A_19 = tpu.memref_slice %arg7[%add3A_15, %dma_wait3A] : memref<20480x80xf32, #tpu.memory_space<hbm>> -> memref<640x80xf32, #tpu.memory_space<hbm>>
      %dma_wait3A_20 = arith.constant 0 : i32
      %dma_wait3A_21 = tpu.memref_slice %arg12[%mul3A_10, %dma_wait3A_20] : memref<10240x80xf32, #tpu.memory_space<vmem_shared>> -> memref<640x80xf32, #tpu.memory_space<vmem_shared>>
      tpu.wait_dma2 semaphore(%run_scoped3A : memref<!tpu.dma_semaphore, #tpu.memory_space<semaphore_mem>>) src(%dma_wait3A_21 : memref<640x80xf32, #tpu.memory_space<vmem_shared>>) dst(%dma_wait3A_19 : memref<640x80xf32, #tpu.memory_space<hbm>>)
      tpu.yield
    }) : () -> ()
    return
  }
}

#map = affine_map<(d0, d1) -> (0)>
#map1 = affine_map<(d0, d1) -> (0, 0)>
module attributes {stable_mosaic.version = 14 : i64} {
  func.func @_pass1_body(%arg0: i32, %arg1: i32, %arg2: memref<320000xi32, #tpu.memory_space<hbm>>, %arg3: memref<320000xi32, #tpu.memory_space<hbm>>, %arg4: memref<10240x176xf32, #tpu.memory_space<hbm>>, %arg5: memref<10240x176xf32, #tpu.memory_space<hbm>>, %arg6: memref<10240x16xf32, #tpu.memory_space<hbm>>, %arg7: memref<10240x16xf32, #tpu.memory_space<hbm>>, %arg8: memref<640x176xf32, #tpu.memory_space<hbm>>, %arg9: memref<10240x176xf32, #tpu.memory_space<hbm>>, %arg10: memref<10240x176xf32, #tpu.memory_space<hbm>>, %arg11: memref<80xi32, #tpu.memory_space<vmem>>, %arg12: memref<80xi32, #tpu.memory_space<vmem>>, %arg13: memref<80x176xf32, #tpu.memory_space<vmem>>, %arg14: memref<80x16xf32, #tpu.memory_space<vmem>>, %arg15: memref<10240x176xf32, #tpu.memory_space<vmem_shared>>) attributes {dimension_semantics = [#tpu.dimension_semantics<core_parallel>, #tpu.dimension_semantics<subcore_parallel>], iteration_bounds = array<i64: 2, 16>, scalar_prefetch = 0 : i64, scratch_operands = 5 : i64, tpu.core_type = #tpu.core_type<sc_vector_subcore>, window_params = [{transform_indices = #map}, {transform_indices = #map}, {transform_indices = #map1}, {transform_indices = #map1}, {transform_indices = #map1}, {transform_indices = #map1}, {transform_indices = #map1}, {transform_indices = #map1}, {transform_indices = #map1}]} {
    %mul3A = arith.constant 640 : i32
    %mul3A_0 = arith.muli %arg1, %mul3A : i32
    "tpu.region"() ({
      %run_scoped3A = tpu.sem_alloc : memref<!tpu.dma_semaphore, #tpu.memory_space<semaphore_mem>>
      %dma_start3A = arith.constant 0 : i32
      %dma_start3A_14 = tpu.memref_slice %arg15[%mul3A_0, %dma_start3A] : memref<10240x176xf32, #tpu.memory_space<vmem_shared>> -> memref<640x176xf32, #tpu.memory_space<vmem_shared>>
      tpu.enqueue_dma source(%arg8 : memref<640x176xf32, #tpu.memory_space<hbm>>) target(%dma_start3A_14 : memref<640x176xf32, #tpu.memory_space<vmem_shared>>) target_semaphore(%run_scoped3A : memref<!tpu.dma_semaphore, #tpu.memory_space<semaphore_mem>>)
      %dma_wait3A = arith.constant 0 : i32
      %dma_wait3A_15 = tpu.memref_slice %arg15[%mul3A_0, %dma_wait3A] : memref<10240x176xf32, #tpu.memory_space<vmem_shared>> -> memref<640x176xf32, #tpu.memory_space<vmem_shared>>
      tpu.wait_dma2 semaphore(%run_scoped3A : memref<!tpu.dma_semaphore, #tpu.memory_space<semaphore_mem>>) src(%arg8 : memref<640x176xf32, #tpu.memory_space<hbm>>) dst(%dma_wait3A_15 : memref<640x176xf32, #tpu.memory_space<vmem_shared>>)
      tpu.yield
    }) : () -> ()
    %barrier3A = arith.constant 0 : index
    tpu.barrier barrier_id(%barrier3A)
    %scan3A = arith.constant 0 : i32
    %scan3A_1 = arith.constant 0 : i32
    %scan3A_2 = arith.constant 250 : i32
    %scan3A_3 = arith.addi %scan3A_1, %scan3A_2 : i32
    %scan3A_4 = arith.constant 1 : i32
    scf.for %scan3A_14 = %scan3A_1 to %scan3A_3 step %scan3A_4  : i32 {
      %mul3A_15 = arith.constant 250 : i32
      %mul3A_16 = arith.muli %arg1, %mul3A_15 : i32
      %add3A = arith.addi %mul3A_16, %scan3A_14 : i32
      %mul3A_17 = arith.constant 80 : i32
      %mul3A_18 = arith.muli %add3A, %mul3A_17 : i32
      "tpu.region"() ({
        %run_scoped3A = tpu.sem_alloc : memref<!tpu.dma_semaphore, #tpu.memory_space<semaphore_mem>>
        %dma_start3A = tpu.memref_slice %arg2[%mul3A_18] : memref<320000xi32, #tpu.memory_space<hbm>> -> memref<80xi32, #tpu.memory_space<hbm>>
        %dma_start3A_35 = tpu.memref_slice %arg2[%mul3A_18] : memref<320000xi32, #tpu.memory_space<hbm>> -> memref<80xi32, #tpu.memory_space<hbm>>
        tpu.enqueue_dma source(%dma_start3A_35 : memref<80xi32, #tpu.memory_space<hbm>>) target(%arg11 : memref<80xi32, #tpu.memory_space<vmem>>) target_semaphore(%run_scoped3A : memref<!tpu.dma_semaphore, #tpu.memory_space<semaphore_mem>>)
        %dma_wait3A = tpu.memref_slice %arg2[%mul3A_18] : memref<320000xi32, #tpu.memory_space<hbm>> -> memref<80xi32, #tpu.memory_space<hbm>>
        %dma_wait3A_36 = tpu.memref_slice %arg2[%mul3A_18] : memref<320000xi32, #tpu.memory_space<hbm>> -> memref<80xi32, #tpu.memory_space<hbm>>
        tpu.wait_dma2 semaphore(%run_scoped3A : memref<!tpu.dma_semaphore, #tpu.memory_space<semaphore_mem>>) src(%dma_wait3A_36 : memref<80xi32, #tpu.memory_space<hbm>>) dst(%arg11 : memref<80xi32, #tpu.memory_space<vmem>>)
        tpu.yield
      }) : () -> ()
      "tpu.region"() ({
        %run_scoped3A = tpu.sem_alloc : memref<!tpu.dma_semaphore, #tpu.memory_space<semaphore_mem>>
        %dma_start3A = tpu.memref_slice %arg3[%mul3A_18] : memref<320000xi32, #tpu.memory_space<hbm>> -> memref<80xi32, #tpu.memory_space<hbm>>
        %dma_start3A_35 = tpu.memref_slice %arg3[%mul3A_18] : memref<320000xi32, #tpu.memory_space<hbm>> -> memref<80xi32, #tpu.memory_space<hbm>>
        tpu.enqueue_dma source(%dma_start3A_35 : memref<80xi32, #tpu.memory_space<hbm>>) target(%arg12 : memref<80xi32, #tpu.memory_space<vmem>>) target_semaphore(%run_scoped3A : memref<!tpu.dma_semaphore, #tpu.memory_space<semaphore_mem>>)
        %dma_wait3A = tpu.memref_slice %arg3[%mul3A_18] : memref<320000xi32, #tpu.memory_space<hbm>> -> memref<80xi32, #tpu.memory_space<hbm>>
        %dma_wait3A_36 = tpu.memref_slice %arg3[%mul3A_18] : memref<320000xi32, #tpu.memory_space<hbm>> -> memref<80xi32, #tpu.memory_space<hbm>>
        tpu.wait_dma2 semaphore(%run_scoped3A : memref<!tpu.dma_semaphore, #tpu.memory_space<semaphore_mem>>) src(%dma_wait3A_36 : memref<80xi32, #tpu.memory_space<hbm>>) dst(%arg12 : memref<80xi32, #tpu.memory_space<vmem>>)
        tpu.yield
      }) : () -> ()
      %eq3A_19 = arith.constant 0 : i32
      %eq3A_20 = arith.cmpi eq, %arg0, %eq3A_19 : i32
      %convert_element_type3A_21 = arith.extui %eq3A_20 : i1 to i32
      %cond3A_22 = arith.constant 0 : i32
      %cond3A_23 = arith.cmpi ne, %convert_element_type3A_21, %cond3A_22 : i32
      scf.if %cond3A_23 {
        "tpu.region"() ({
          %run_scoped3A = tpu.sem_alloc : memref<!tpu.dma_semaphore, #tpu.memory_space<semaphore_mem>>
          %dma_start3A = arith.constant 0 : i32
          %dma_start3A_35 = arith.constant 0 : i32
          %dma_start3A_36 = tpu.memref_slice %arg4[%dma_start3A, %dma_start3A_35] : memref<10240x176xf32, #tpu.memory_space<hbm>> -> memref<10240x176xf32, #tpu.memory_space<hbm>>
          tpu.enqueue_indirect_dma source(%dma_start3A_36 : memref<10240x176xf32, #tpu.memory_space<hbm>>) target(%arg13 : memref<80x176xf32, #tpu.memory_space<vmem>>) offsets(%arg11 : memref<80xi32, #tpu.memory_space<vmem>>) semaphore(%run_scoped3A : memref<!tpu.dma_semaphore, #tpu.memory_space<semaphore_mem>>)
          %dma_wait3A = arith.constant 0 : i32
          %dma_wait3A_37 = arith.constant 0 : i32
          %dma_wait3A_38 = tpu.memref_slice %arg4[%dma_wait3A, %dma_wait3A_37] : memref<10240x176xf32, #tpu.memory_space<hbm>> -> memref<10240x176xf32, #tpu.memory_space<hbm>>
          tpu.wait_indirect_dma semaphore(%run_scoped3A : memref<!tpu.dma_semaphore, #tpu.memory_space<semaphore_mem>>) src(%dma_wait3A_38 : memref<10240x176xf32, #tpu.memory_space<hbm>>) dst(%arg13 : memref<80x176xf32, #tpu.memory_space<vmem>>)
          tpu.yield
        }) : () -> ()
        "tpu.region"() ({
          %run_scoped3A = tpu.sem_alloc : memref<!tpu.dma_semaphore, #tpu.memory_space<semaphore_mem>>
          %dma_start3A = arith.constant 0 : i32
          %dma_start3A_35 = arith.constant 0 : i32
          %dma_start3A_36 = tpu.memref_slice %arg6[%dma_start3A, %dma_start3A_35] : memref<10240x16xf32, #tpu.memory_space<hbm>> -> memref<10240x16xf32, #tpu.memory_space<hbm>>
          tpu.enqueue_indirect_dma source(%dma_start3A_36 : memref<10240x16xf32, #tpu.memory_space<hbm>>) target(%arg14 : memref<80x16xf32, #tpu.memory_space<vmem>>) offsets(%arg12 : memref<80xi32, #tpu.memory_space<vmem>>) semaphore(%run_scoped3A : memref<!tpu.dma_semaphore, #tpu.memory_space<semaphore_mem>>)
          %dma_wait3A = arith.constant 0 : i32
          %dma_wait3A_37 = arith.constant 0 : i32
          %dma_wait3A_38 = tpu.memref_slice %arg6[%dma_wait3A, %dma_wait3A_37] : memref<10240x16xf32, #tpu.memory_space<hbm>> -> memref<10240x16xf32, #tpu.memory_space<hbm>>
          tpu.wait_indirect_dma semaphore(%run_scoped3A : memref<!tpu.dma_semaphore, #tpu.memory_space<semaphore_mem>>) src(%dma_wait3A_38 : memref<10240x16xf32, #tpu.memory_space<hbm>>) dst(%arg14 : memref<80x16xf32, #tpu.memory_space<vmem>>)
          tpu.yield
        }) : () -> ()
      } else {
      }
      %eq3A_24 = arith.constant 1 : i32
      %eq3A_25 = arith.cmpi eq, %arg0, %eq3A_24 : i32
      %convert_element_type3A_26 = arith.extui %eq3A_25 : i1 to i32
      %cond3A_27 = arith.constant 0 : i32
      %cond3A_28 = arith.cmpi ne, %convert_element_type3A_26, %cond3A_27 : i32
      scf.if %cond3A_28 {
        "tpu.region"() ({
          %run_scoped3A = tpu.sem_alloc : memref<!tpu.dma_semaphore, #tpu.memory_space<semaphore_mem>>
          %dma_start3A = arith.constant 0 : i32
          %dma_start3A_35 = arith.constant 0 : i32
          %dma_start3A_36 = tpu.memref_slice %arg5[%dma_start3A, %dma_start3A_35] : memref<10240x176xf32, #tpu.memory_space<hbm>> -> memref<10240x176xf32, #tpu.memory_space<hbm>>
          tpu.enqueue_indirect_dma source(%dma_start3A_36 : memref<10240x176xf32, #tpu.memory_space<hbm>>) target(%arg13 : memref<80x176xf32, #tpu.memory_space<vmem>>) offsets(%arg11 : memref<80xi32, #tpu.memory_space<vmem>>) semaphore(%run_scoped3A : memref<!tpu.dma_semaphore, #tpu.memory_space<semaphore_mem>>)
          %dma_wait3A = arith.constant 0 : i32
          %dma_wait3A_37 = arith.constant 0 : i32
          %dma_wait3A_38 = tpu.memref_slice %arg5[%dma_wait3A, %dma_wait3A_37] : memref<10240x176xf32, #tpu.memory_space<hbm>> -> memref<10240x176xf32, #tpu.memory_space<hbm>>
          tpu.wait_indirect_dma semaphore(%run_scoped3A : memref<!tpu.dma_semaphore, #tpu.memory_space<semaphore_mem>>) src(%dma_wait3A_38 : memref<10240x176xf32, #tpu.memory_space<hbm>>) dst(%arg13 : memref<80x176xf32, #tpu.memory_space<vmem>>)
          tpu.yield
        }) : () -> ()
        "tpu.region"() ({
          %run_scoped3A = tpu.sem_alloc : memref<!tpu.dma_semaphore, #tpu.memory_space<semaphore_mem>>
          %dma_start3A = arith.constant 0 : i32
          %dma_start3A_35 = arith.constant 0 : i32
          %dma_start3A_36 = tpu.memref_slice %arg7[%dma_start3A, %dma_start3A_35] : memref<10240x16xf32, #tpu.memory_space<hbm>> -> memref<10240x16xf32, #tpu.memory_space<hbm>>
          tpu.enqueue_indirect_dma source(%dma_start3A_36 : memref<10240x16xf32, #tpu.memory_space<hbm>>) target(%arg14 : memref<80x16xf32, #tpu.memory_space<vmem>>) offsets(%arg12 : memref<80xi32, #tpu.memory_space<vmem>>) semaphore(%run_scoped3A : memref<!tpu.dma_semaphore, #tpu.memory_space<semaphore_mem>>)
          %dma_wait3A = arith.constant 0 : i32
          %dma_wait3A_37 = arith.constant 0 : i32
          %dma_wait3A_38 = tpu.memref_slice %arg7[%dma_wait3A, %dma_wait3A_37] : memref<10240x16xf32, #tpu.memory_space<hbm>> -> memref<10240x16xf32, #tpu.memory_space<hbm>>
          tpu.wait_indirect_dma semaphore(%run_scoped3A : memref<!tpu.dma_semaphore, #tpu.memory_space<semaphore_mem>>) src(%dma_wait3A_38 : memref<10240x16xf32, #tpu.memory_space<hbm>>) dst(%arg14 : memref<80x16xf32, #tpu.memory_space<vmem>>)
          tpu.yield
        }) : () -> ()
      } else {
      }
      %scan3A_29 = arith.constant 0 : i32
      %scan3A_30 = arith.constant 0 : i32
      %scan3A_31 = arith.constant 80 : i32
      %scan3A_32 = arith.addi %scan3A_30, %scan3A_31 : i32
      %scan3A_33 = arith.constant 1 : i32
      scf.for %scan3A_35 = %scan3A_30 to %scan3A_32 step %scan3A_33  : i32 {
        %get3A = arith.index_cast %scan3A_35 : i32 to index
        %get3A_36 = arith.constant 128 : index
        %get3A_37 = tpu.vector_load %arg13[%get3A, %get3A_36] {strides = array<i32>} : memref<80x176xf32, #tpu.memory_space<vmem>>, vector<1x16xf32>,
        %get3A_38 = vector.shape_cast %get3A_37 : vector<1x16xf32> to vector<16xf32>
        %get3A_39 = arith.index_cast %scan3A_35 : i32 to index
        %get3A_40 = arith.constant 0 : index
        %get3A_41 = tpu.vector_load %arg14[%get3A_39, %get3A_40] {strides = array<i32>} : memref<80x16xf32, #tpu.memory_space<vmem>>, vector<1x16xf32>,
        %get3A_42 = vector.shape_cast %get3A_41 : vector<1x16xf32> to vector<16xf32>
        %add3A_43 = arith.addf %get3A_38, %get3A_42 : vector<16xf32>
        %gt3A = arith.constant 0.000000e+00 : f32
        %gt3A_44 = vector.broadcast %gt3A : f32 to vector<16xf32>
        %gt3A_45 = arith.cmpf ogt, %add3A_43, %gt3A_44 : vector<16xf32>
        %mul3A_46 = arith.constant 2.000000e-01 : f32
        %mul3A_47 = vector.broadcast %mul3A_46 : f32 to vector<16xf32>
        %mul3A_48 = arith.mulf %mul3A_47, %add3A_43 : vector<16xf32>
        %select_n3A = arith.select %gt3A_45, %add3A_43, %mul3A_48 : vector<16xi1>, vector<16xf32>
        %exp3A = math.exp %select_n3A : vector<16xf32>
        %swap3A = arith.index_cast %scan3A_35 : i32 to index
        %swap3A_49 = arith.constant 128 : index
        %swap3A_50 = tpu.vector_load %arg13[%swap3A, %swap3A_49] {strides = array<i32>} : memref<80x176xf32, #tpu.memory_space<vmem>>, vector<1x16xf32>,
        %swap3A_51 = vector.shape_cast %swap3A_50 : vector<1x16xf32> to vector<16xf32>
        %swap3A_52 = vector.shape_cast %exp3A : vector<16xf32> to vector<1x16xf32>
        tpu.vector_store %arg13[%swap3A, %swap3A_49], %swap3A_52 {strides = array<i32>} : memref<80x176xf32, #tpu.memory_space<vmem>>, vector<1x16xf32>,
        %get3A_53 = arith.index_cast %scan3A_35 : i32 to index
        %get3A_54 = arith.constant 0 : index
        %get3A_55 = tpu.vector_load %arg13[%get3A_53, %get3A_54] {strides = array<i32>} : memref<80x176xf32, #tpu.memory_space<vmem>>, vector<1x16xf32>,
        %get3A_56 = vector.shape_cast %get3A_55 : vector<1x16xf32> to vector<16xf32>
        %mul3A_57 = arith.mulf %get3A_56, %exp3A : vector<16xf32>
        %swap3A_58 = arith.index_cast %scan3A_35 : i32 to index
        %swap3A_59 = arith.constant 0 : index
        %swap3A_60 = tpu.vector_load %arg13[%swap3A_58, %swap3A_59] {strides = array<i32>} : memref<80x176xf32, #tpu.memory_space<vmem>>, vector<1x16xf32>,
        %swap3A_61 = vector.shape_cast %swap3A_60 : vector<1x16xf32> to vector<16xf32>
        %swap3A_62 = vector.shape_cast %mul3A_57 : vector<16xf32> to vector<1x16xf32>
        tpu.vector_store %arg13[%swap3A_58, %swap3A_59], %swap3A_62 {strides = array<i32>} : memref<80x176xf32, #tpu.memory_space<vmem>>, vector<1x16xf32>,
        %get3A_63 = arith.index_cast %scan3A_35 : i32 to index
        %get3A_64 = arith.constant 16 : index
        %get3A_65 = tpu.vector_load %arg13[%get3A_63, %get3A_64] {strides = array<i32>} : memref<80x176xf32, #tpu.memory_space<vmem>>, vector<1x16xf32>,
        %get3A_66 = vector.shape_cast %get3A_65 : vector<1x16xf32> to vector<16xf32>
        %mul3A_67 = arith.mulf %get3A_66, %exp3A : vector<16xf32>
        %swap3A_68 = arith.index_cast %scan3A_35 : i32 to index
        %swap3A_69 = arith.constant 16 : index
        %swap3A_70 = tpu.vector_load %arg13[%swap3A_68, %swap3A_69] {strides = array<i32>} : memref<80x176xf32, #tpu.memory_space<vmem>>, vector<1x16xf32>,
        %swap3A_71 = vector.shape_cast %swap3A_70 : vector<1x16xf32> to vector<16xf32>
        %swap3A_72 = vector.shape_cast %mul3A_67 : vector<16xf32> to vector<1x16xf32>
        tpu.vector_store %arg13[%swap3A_68, %swap3A_69], %swap3A_72 {strides = array<i32>} : memref<80x176xf32, #tpu.memory_space<vmem>>, vector<1x16xf32>,
        %get3A_73 = arith.index_cast %scan3A_35 : i32 to index
        %get3A_74 = arith.constant 32 : index
        %get3A_75 = tpu.vector_load %arg13[%get3A_73, %get3A_74] {strides = array<i32>} : memref<80x176xf32, #tpu.memory_space<vmem>>, vector<1x16xf32>,
        %get3A_76 = vector.shape_cast %get3A_75 : vector<1x16xf32> to vector<16xf32>
        %mul3A_77 = arith.mulf %get3A_76, %exp3A : vector<16xf32>
        %swap3A_78 = arith.index_cast %scan3A_35 : i32 to index
        %swap3A_79 = arith.constant 32 : index
        %swap3A_80 = tpu.vector_load %arg13[%swap3A_78, %swap3A_79] {strides = array<i32>} : memref<80x176xf32, #tpu.memory_space<vmem>>, vector<1x16xf32>,
        %swap3A_81 = vector.shape_cast %swap3A_80 : vector<1x16xf32> to vector<16xf32>
        %swap3A_82 = vector.shape_cast %mul3A_77 : vector<16xf32> to vector<1x16xf32>
        tpu.vector_store %arg13[%swap3A_78, %swap3A_79], %swap3A_82 {strides = array<i32>} : memref<80x176xf32, #tpu.memory_space<vmem>>, vector<1x16xf32>,
        %get3A_83 = arith.index_cast %scan3A_35 : i32 to index
        %get3A_84 = arith.constant 48 : index
        %get3A_85 = tpu.vector_load %arg13[%get3A_83, %get3A_84] {strides = array<i32>} : memref<80x176xf32, #tpu.memory_space<vmem>>, vector<1x16xf32>,
        %get3A_86 = vector.shape_cast %get3A_85 : vector<1x16xf32> to vector<16xf32>
        %mul3A_87 = arith.mulf %get3A_86, %exp3A : vector<16xf32>
        %swap3A_88 = arith.index_cast %scan3A_35 : i32 to index
        %swap3A_89 = arith.constant 48 : index
        %swap3A_90 = tpu.vector_load %arg13[%swap3A_88, %swap3A_89] {strides = array<i32>} : memref<80x176xf32, #tpu.memory_space<vmem>>, vector<1x16xf32>,
        %swap3A_91 = vector.shape_cast %swap3A_90 : vector<1x16xf32> to vector<16xf32>
        %swap3A_92 = vector.shape_cast %mul3A_87 : vector<16xf32> to vector<1x16xf32>
        tpu.vector_store %arg13[%swap3A_88, %swap3A_89], %swap3A_92 {strides = array<i32>} : memref<80x176xf32, #tpu.memory_space<vmem>>, vector<1x16xf32>,
        %get3A_93 = arith.index_cast %scan3A_35 : i32 to index
        %get3A_94 = arith.constant 64 : index
        %get3A_95 = tpu.vector_load %arg13[%get3A_93, %get3A_94] {strides = array<i32>} : memref<80x176xf32, #tpu.memory_space<vmem>>, vector<1x16xf32>,
        %get3A_96 = vector.shape_cast %get3A_95 : vector<1x16xf32> to vector<16xf32>
        %mul3A_97 = arith.mulf %get3A_96, %exp3A : vector<16xf32>
        %swap3A_98 = arith.index_cast %scan3A_35 : i32 to index
        %swap3A_99 = arith.constant 64 : index
        %swap3A_100 = tpu.vector_load %arg13[%swap3A_98, %swap3A_99] {strides = array<i32>} : memref<80x176xf32, #tpu.memory_space<vmem>>, vector<1x16xf32>,
        %swap3A_101 = vector.shape_cast %swap3A_100 : vector<1x16xf32> to vector<16xf32>
        %swap3A_102 = vector.shape_cast %mul3A_97 : vector<16xf32> to vector<1x16xf32>
        tpu.vector_store %arg13[%swap3A_98, %swap3A_99], %swap3A_102 {strides = array<i32>} : memref<80x176xf32, #tpu.memory_space<vmem>>, vector<1x16xf32>,
        %get3A_103 = arith.index_cast %scan3A_35 : i32 to index
        %get3A_104 = arith.constant 80 : index
        %get3A_105 = tpu.vector_load %arg13[%get3A_103, %get3A_104] {strides = array<i32>} : memref<80x176xf32, #tpu.memory_space<vmem>>, vector<1x16xf32>,
        %get3A_106 = vector.shape_cast %get3A_105 : vector<1x16xf32> to vector<16xf32>
        %mul3A_107 = arith.mulf %get3A_106, %exp3A : vector<16xf32>
        %swap3A_108 = arith.index_cast %scan3A_35 : i32 to index
        %swap3A_109 = arith.constant 80 : index
        %swap3A_110 = tpu.vector_load %arg13[%swap3A_108, %swap3A_109] {strides = array<i32>} : memref<80x176xf32, #tpu.memory_space<vmem>>, vector<1x16xf32>,
        %swap3A_111 = vector.shape_cast %swap3A_110 : vector<1x16xf32> to vector<16xf32>
        %swap3A_112 = vector.shape_cast %mul3A_107 : vector<16xf32> to vector<1x16xf32>
        tpu.vector_store %arg13[%swap3A_108, %swap3A_109], %swap3A_112 {strides = array<i32>} : memref<80x176xf32, #tpu.memory_space<vmem>>, vector<1x16xf32>,
        %get3A_113 = arith.index_cast %scan3A_35 : i32 to index
        %get3A_114 = arith.constant 96 : index
        %get3A_115 = tpu.vector_load %arg13[%get3A_113, %get3A_114] {strides = array<i32>} : memref<80x176xf32, #tpu.memory_space<vmem>>, vector<1x16xf32>,
        %get3A_116 = vector.shape_cast %get3A_115 : vector<1x16xf32> to vector<16xf32>
        %mul3A_117 = arith.mulf %get3A_116, %exp3A : vector<16xf32>
        %swap3A_118 = arith.index_cast %scan3A_35 : i32 to index
        %swap3A_119 = arith.constant 96 : index
        %swap3A_120 = tpu.vector_load %arg13[%swap3A_118, %swap3A_119] {strides = array<i32>} : memref<80x176xf32, #tpu.memory_space<vmem>>, vector<1x16xf32>,
        %swap3A_121 = vector.shape_cast %swap3A_120 : vector<1x16xf32> to vector<16xf32>
        %swap3A_122 = vector.shape_cast %mul3A_117 : vector<16xf32> to vector<1x16xf32>
        tpu.vector_store %arg13[%swap3A_118, %swap3A_119], %swap3A_122 {strides = array<i32>} : memref<80x176xf32, #tpu.memory_space<vmem>>, vector<1x16xf32>,
        %get3A_123 = arith.index_cast %scan3A_35 : i32 to index
        %get3A_124 = arith.constant 112 : index
        %get3A_125 = tpu.vector_load %arg13[%get3A_123, %get3A_124] {strides = array<i32>} : memref<80x176xf32, #tpu.memory_space<vmem>>, vector<1x16xf32>,
        %get3A_126 = vector.shape_cast %get3A_125 : vector<1x16xf32> to vector<16xf32>
        %mul3A_127 = arith.mulf %get3A_126, %exp3A : vector<16xf32>
        %swap3A_128 = arith.index_cast %scan3A_35 : i32 to index
        %swap3A_129 = arith.constant 112 : index
        %swap3A_130 = tpu.vector_load %arg13[%swap3A_128, %swap3A_129] {strides = array<i32>} : memref<80x176xf32, #tpu.memory_space<vmem>>, vector<1x16xf32>,
        %swap3A_131 = vector.shape_cast %swap3A_130 : vector<1x16xf32> to vector<16xf32>
        %swap3A_132 = vector.shape_cast %mul3A_127 : vector<16xf32> to vector<1x16xf32>
        tpu.vector_store %arg13[%swap3A_128, %swap3A_129], %swap3A_132 {strides = array<i32>} : memref<80x176xf32, #tpu.memory_space<vmem>>, vector<1x16xf32>,
      }
      %scan3A_34 = arith.constant 80 : i32
      "tpu.region"() ({
        %run_scoped3A = tpu.sem_alloc : memref<!tpu.dma_semaphore, #tpu.memory_space<semaphore_mem>>
        %dma_start3A = arith.constant 0 : i32
        %dma_start3A_35 = arith.constant 0 : i32
        %dma_start3A_36 = tpu.memref_slice %arg15[%dma_start3A, %dma_start3A_35] : memref<10240x176xf32, #tpu.memory_space<vmem_shared>> -> memref<10240x176xf32, #tpu.memory_space<vmem_shared>>
        tpu.enqueue_indirect_dma source(%arg13 : memref<80x176xf32, #tpu.memory_space<vmem>>) target(%dma_start3A_36 : memref<10240x176xf32, #tpu.memory_space<vmem_shared>>) offsets(%arg12 : memref<80xi32, #tpu.memory_space<vmem>>) semaphore(%run_scoped3A : memref<!tpu.dma_semaphore, #tpu.memory_space<semaphore_mem>>) {add = true}
        %dma_wait3A = arith.constant 0 : i32
        %dma_wait3A_37 = arith.constant 0 : i32
        %dma_wait3A_38 = tpu.memref_slice %arg15[%dma_wait3A, %dma_wait3A_37] : memref<10240x176xf32, #tpu.memory_space<vmem_shared>> -> memref<10240x176xf32, #tpu.memory_space<vmem_shared>>
        tpu.wait_indirect_dma semaphore(%run_scoped3A : memref<!tpu.dma_semaphore, #tpu.memory_space<semaphore_mem>>) src(%arg13 : memref<80x176xf32, #tpu.memory_space<vmem>>) dst(%dma_wait3A_38 : memref<10240x176xf32, #tpu.memory_space<vmem_shared>>)
        tpu.yield
      }) : () -> ()
    }
    %scan3A_5 = arith.constant 250 : i32
    %barrier3A_6 = arith.constant 0 : index
    tpu.barrier barrier_id(%barrier3A_6)
    %eq3A = arith.constant 0 : i32
    %eq3A_7 = arith.cmpi eq, %arg0, %eq3A : i32
    %convert_element_type3A = arith.extui %eq3A_7 : i1 to i32
    %cond3A = arith.constant 0 : i32
    %cond3A_8 = arith.cmpi ne, %convert_element_type3A, %cond3A : i32
    scf.if %cond3A_8 {
      %mul3A_14 = arith.constant 640 : i32
      %mul3A_15 = arith.muli %arg1, %mul3A_14 : i32
      %mul3A_16 = arith.constant 640 : i32
      %mul3A_17 = arith.muli %arg1, %mul3A_16 : i32
      "tpu.region"() ({
        %run_scoped3A = tpu.sem_alloc : memref<!tpu.dma_semaphore, #tpu.memory_space<semaphore_mem>>
        %dma_start3A = arith.constant 0 : i32
        %dma_start3A_18 = tpu.memref_slice %arg9[%mul3A_17, %dma_start3A] : memref<10240x176xf32, #tpu.memory_space<hbm>> -> memref<640x176xf32, #tpu.memory_space<hbm>>
        %dma_start3A_19 = arith.constant 0 : i32
        %dma_start3A_20 = tpu.memref_slice %arg15[%mul3A_15, %dma_start3A_19] : memref<10240x176xf32, #tpu.memory_space<vmem_shared>> -> memref<640x176xf32, #tpu.memory_space<vmem_shared>>
        tpu.enqueue_dma source(%dma_start3A_20 : memref<640x176xf32, #tpu.memory_space<vmem_shared>>) target(%dma_start3A_18 : memref<640x176xf32, #tpu.memory_space<hbm>>) target_semaphore(%run_scoped3A : memref<!tpu.dma_semaphore, #tpu.memory_space<semaphore_mem>>)
        %dma_wait3A = arith.constant 0 : i32
        %dma_wait3A_21 = tpu.memref_slice %arg9[%mul3A_17, %dma_wait3A] : memref<10240x176xf32, #tpu.memory_space<hbm>> -> memref<640x176xf32, #tpu.memory_space<hbm>>
        %dma_wait3A_22 = arith.constant 0 : i32
        %dma_wait3A_23 = tpu.memref_slice %arg15[%mul3A_15, %dma_wait3A_22] : memref<10240x176xf32, #tpu.memory_space<vmem_shared>> -> memref<640x176xf32, #tpu.memory_space<vmem_shared>>
        tpu.wait_dma2 semaphore(%run_scoped3A : memref<!tpu.dma_semaphore, #tpu.memory_space<semaphore_mem>>) src(%dma_wait3A_23 : memref<640x176xf32, #tpu.memory_space<vmem_shared>>) dst(%dma_wait3A_21 : memref<640x176xf32, #tpu.memory_space<hbm>>)
        tpu.yield
      }) : () -> ()
    } else {
    }
    %eq3A_9 = arith.constant 1 : i32
    %eq3A_10 = arith.cmpi eq, %arg0, %eq3A_9 : i32
    %convert_element_type3A_11 = arith.extui %eq3A_10 : i1 to i32
    %cond3A_12 = arith.constant 0 : i32
    %cond3A_13 = arith.cmpi ne, %convert_element_type3A_11, %cond3A_12 : i32
    scf.if %cond3A_13 {
      %mul3A_14 = arith.constant 640 : i32
      %mul3A_15 = arith.muli %arg1, %mul3A_14 : i32
      %mul3A_16 = arith.constant 640 : i32
      %mul3A_17 = arith.muli %arg1, %mul3A_16 : i32
      "tpu.region"() ({
        %run_scoped3A = tpu.sem_alloc : memref<!tpu.dma_semaphore, #tpu.memory_space<semaphore_mem>>
        %dma_start3A = arith.constant 0 : i32
        %dma_start3A_18 = tpu.memref_slice %arg10[%mul3A_17, %dma_start3A] : memref<10240x176xf32, #tpu.memory_space<hbm>> -> memref<640x176xf32, #tpu.memory_space<hbm>>
        %dma_start3A_19 = arith.constant 0 : i32
        %dma_start3A_20 = tpu.memref_slice %arg15[%mul3A_15, %dma_start3A_19] : memref<10240x176xf32, #tpu.memory_space<vmem_shared>> -> memref<640x176xf32, #tpu.memory_space<vmem_shared>>
        tpu.enqueue_dma source(%dma_start3A_20 : memref<640x176xf32, #tpu.memory_space<vmem_shared>>) target(%dma_start3A_18 : memref<640x176xf32, #tpu.memory_space<hbm>>) target_semaphore(%run_scoped3A : memref<!tpu.dma_semaphore, #tpu.memory_space<semaphore_mem>>)
        %dma_wait3A = arith.constant 0 : i32
        %dma_wait3A_21 = tpu.memref_slice %arg10[%mul3A_17, %dma_wait3A] : memref<10240x176xf32, #tpu.memory_space<hbm>> -> memref<640x176xf32, #tpu.memory_space<hbm>>
        %dma_wait3A_22 = arith.constant 0 : i32
        %dma_wait3A_23 = tpu.memref_slice %arg15[%mul3A_15, %dma_wait3A_22] : memref<10240x176xf32, #tpu.memory_space<vmem_shared>> -> memref<640x176xf32, #tpu.memory_space<vmem_shared>>
        tpu.wait_dma2 semaphore(%run_scoped3A : memref<!tpu.dma_semaphore, #tpu.memory_space<semaphore_mem>>) src(%dma_wait3A_23 : memref<640x176xf32, #tpu.memory_space<vmem_shared>>) dst(%dma_wait3A_21 : memref<640x176xf32, #tpu.memory_space<hbm>>)
        tpu.yield
      }) : () -> ()
    } else {
    }
    return
  }
}

#map = affine_map<(d0, d1) -> (0)>
module attributes {stable_mosaic.version = 14 : i64} {
  func.func @_deg_body(%arg0: i32, %arg1: i32, %arg2: memref<320000xi32, #tpu.memory_space<hbm>>, %arg3: memref<640xf32, #tpu.memory_space<hbm>>, %arg4: memref<20480xf32, #tpu.memory_space<hbm>>, %arg5: memref<80xi32, #tpu.memory_space<vmem>>, %arg6: memref<80xf32, #tpu.memory_space<vmem>>, %arg7: memref<10240xf32, #tpu.memory_space<vmem_shared>>) attributes {dimension_semantics = [#tpu.dimension_semantics<core_parallel>, #tpu.dimension_semantics<subcore_parallel>], iteration_bounds = array<i64: 2, 16>, scalar_prefetch = 0 : i64, scratch_operands = 3 : i64, tpu.core_type = #tpu.core_type<sc_vector_subcore>, window_params = [{transform_indices = #map}, {transform_indices = #map}, {transform_indices = #map}]} {
    %mul3A = arith.constant 2 : i32
    %mul3A_0 = arith.muli %arg1, %mul3A : i32
    %add3A = arith.addi %mul3A_0, %arg0 : i32
    %broadcast_in_dim3A = arith.constant 1.000000e+00 : f32
    %broadcast_in_dim3A_1 = vector.broadcast %broadcast_in_dim3A : f32 to vector<16xf32>
    %swap3A = arith.constant 0 : index
    %swap3A_2 = tpu.vector_load %arg6[%swap3A] {strides = array<i32>} : memref<80xf32, #tpu.memory_space<vmem>>, vector<16xf32>,
    %swap3A_3 = vector.shape_cast %swap3A_2 : vector<16xf32> to vector<16xf32>
    %swap3A_4 = vector.shape_cast %broadcast_in_dim3A_1 : vector<16xf32> to vector<16xf32>
    tpu.vector_store %arg6[%swap3A], %swap3A_4 {strides = array<i32>} : memref<80xf32, #tpu.memory_space<vmem>>, vector<16xf32>,
    %broadcast_in_dim3A_5 = arith.constant 1.000000e+00 : f32
    %broadcast_in_dim3A_6 = vector.broadcast %broadcast_in_dim3A_5 : f32 to vector<16xf32>
    %swap3A_7 = arith.constant 16 : index
    %swap3A_8 = tpu.vector_load %arg6[%swap3A_7] {strides = array<i32>} : memref<80xf32, #tpu.memory_space<vmem>>, vector<16xf32>,
    %swap3A_9 = vector.shape_cast %swap3A_8 : vector<16xf32> to vector<16xf32>
    %swap3A_10 = vector.shape_cast %broadcast_in_dim3A_6 : vector<16xf32> to vector<16xf32>
    tpu.vector_store %arg6[%swap3A_7], %swap3A_10 {strides = array<i32>} : memref<80xf32, #tpu.memory_space<vmem>>, vector<16xf32>,
    %broadcast_in_dim3A_11 = arith.constant 1.000000e+00 : f32
    %broadcast_in_dim3A_12 = vector.broadcast %broadcast_in_dim3A_11 : f32 to vector<16xf32>
    %swap3A_13 = arith.constant 32 : index
    %swap3A_14 = tpu.vector_load %arg6[%swap3A_13] {strides = array<i32>} : memref<80xf32, #tpu.memory_space<vmem>>, vector<16xf32>,
    %swap3A_15 = vector.shape_cast %swap3A_14 : vector<16xf32> to vector<16xf32>
    %swap3A_16 = vector.shape_cast %broadcast_in_dim3A_12 : vector<16xf32> to vector<16xf32>
    tpu.vector_store %arg6[%swap3A_13], %swap3A_16 {strides = array<i32>} : memref<80xf32, #tpu.memory_space<vmem>>, vector<16xf32>,
    %broadcast_in_dim3A_17 = arith.constant 1.000000e+00 : f32
    %broadcast_in_dim3A_18 = vector.broadcast %broadcast_in_dim3A_17 : f32 to vector<16xf32>
    %swap3A_19 = arith.constant 48 : index
    %swap3A_20 = tpu.vector_load %arg6[%swap3A_19] {strides = array<i32>} : memref<80xf32, #tpu.memory_space<vmem>>, vector<16xf32>,
    %swap3A_21 = vector.shape_cast %swap3A_20 : vector<16xf32> to vector<16xf32>
    %swap3A_22 = vector.shape_cast %broadcast_in_dim3A_18 : vector<16xf32> to vector<16xf32>
    tpu.vector_store %arg6[%swap3A_19], %swap3A_22 {strides = array<i32>} : memref<80xf32, #tpu.memory_space<vmem>>, vector<16xf32>,
    %broadcast_in_dim3A_23 = arith.constant 1.000000e+00 : f32
    %broadcast_in_dim3A_24 = vector.broadcast %broadcast_in_dim3A_23 : f32 to vector<16xf32>
    %swap3A_25 = arith.constant 64 : index
    %swap3A_26 = tpu.vector_load %arg6[%swap3A_25] {strides = array<i32>} : memref<80xf32, #tpu.memory_space<vmem>>, vector<16xf32>,
    %swap3A_27 = vector.shape_cast %swap3A_26 : vector<16xf32> to vector<16xf32>
    %swap3A_28 = vector.shape_cast %broadcast_in_dim3A_24 : vector<16xf32> to vector<16xf32>
    tpu.vector_store %arg6[%swap3A_25], %swap3A_28 {strides = array<i32>} : memref<80xf32, #tpu.memory_space<vmem>>, vector<16xf32>,
    %mul3A_29 = arith.constant 640 : i32
    %mul3A_30 = arith.muli %arg1, %mul3A_29 : i32
    "tpu.region"() ({
      %run_scoped3A = tpu.sem_alloc : memref<!tpu.dma_semaphore, #tpu.memory_space<semaphore_mem>>
      %dma_start3A = tpu.memref_slice %arg7[%mul3A_30] : memref<10240xf32, #tpu.memory_space<vmem_shared>> -> memref<640xf32, #tpu.memory_space<vmem_shared>>
      tpu.enqueue_dma source(%arg3 : memref<640xf32, #tpu.memory_space<hbm>>) target(%dma_start3A : memref<640xf32, #tpu.memory_space<vmem_shared>>) target_semaphore(%run_scoped3A : memref<!tpu.dma_semaphore, #tpu.memory_space<semaphore_mem>>)
      %dma_wait3A = tpu.memref_slice %arg7[%mul3A_30] : memref<10240xf32, #tpu.memory_space<vmem_shared>> -> memref<640xf32, #tpu.memory_space<vmem_shared>>
      tpu.wait_dma2 semaphore(%run_scoped3A : memref<!tpu.dma_semaphore, #tpu.memory_space<semaphore_mem>>) src(%arg3 : memref<640xf32, #tpu.memory_space<hbm>>) dst(%dma_wait3A : memref<640xf32, #tpu.memory_space<vmem_shared>>)
      tpu.yield
    }) : () -> ()
    %barrier3A = arith.constant 0 : index
    tpu.barrier barrier_id(%barrier3A)
    %scan3A = arith.constant 0 : i32
    %scan3A_31 = arith.constant 0 : i32
    %scan3A_32 = arith.constant 125 : i32
    %scan3A_33 = arith.addi %scan3A_31, %scan3A_32 : i32
    %scan3A_34 = arith.constant 1 : i32
    scf.for %scan3A_44 = %scan3A_31 to %scan3A_33 step %scan3A_34  : i32 {
      %mul3A_45 = arith.constant 125 : i32
      %mul3A_46 = arith.muli %add3A, %mul3A_45 : i32
      %add3A_47 = arith.addi %mul3A_46, %scan3A_44 : i32
      %mul3A_48 = arith.constant 80 : i32
      %mul3A_49 = arith.muli %add3A_47, %mul3A_48 : i32
      "tpu.region"() ({
        %run_scoped3A = tpu.sem_alloc : memref<!tpu.dma_semaphore, #tpu.memory_space<semaphore_mem>>
        %dma_start3A = tpu.memref_slice %arg2[%mul3A_49] : memref<320000xi32, #tpu.memory_space<hbm>> -> memref<80xi32, #tpu.memory_space<hbm>>
        %dma_start3A_50 = tpu.memref_slice %arg2[%mul3A_49] : memref<320000xi32, #tpu.memory_space<hbm>> -> memref<80xi32, #tpu.memory_space<hbm>>
        tpu.enqueue_dma source(%dma_start3A_50 : memref<80xi32, #tpu.memory_space<hbm>>) target(%arg5 : memref<80xi32, #tpu.memory_space<vmem>>) target_semaphore(%run_scoped3A : memref<!tpu.dma_semaphore, #tpu.memory_space<semaphore_mem>>)
        %dma_wait3A = tpu.memref_slice %arg2[%mul3A_49] : memref<320000xi32, #tpu.memory_space<hbm>> -> memref<80xi32, #tpu.memory_space<hbm>>
        %dma_wait3A_51 = tpu.memref_slice %arg2[%mul3A_49] : memref<320000xi32, #tpu.memory_space<hbm>> -> memref<80xi32, #tpu.memory_space<hbm>>
        tpu.wait_dma2 semaphore(%run_scoped3A : memref<!tpu.dma_semaphore, #tpu.memory_space<semaphore_mem>>) src(%dma_wait3A_51 : memref<80xi32, #tpu.memory_space<hbm>>) dst(%arg5 : memref<80xi32, #tpu.memory_space<vmem>>)
        tpu.yield
      }) : () -> ()
      "tpu.region"() ({
        %run_scoped3A = tpu.sem_alloc : memref<!tpu.dma_semaphore, #tpu.memory_space<semaphore_mem>>
        %dma_start3A = arith.constant 0 : i32
        %dma_start3A_50 = tpu.memref_slice %arg7[%dma_start3A] : memref<10240xf32, #tpu.memory_space<vmem_shared>> -> memref<10240xf32, #tpu.memory_space<vmem_shared>>
        tpu.enqueue_indirect_dma source(%arg6 : memref<80xf32, #tpu.memory_space<vmem>>) target(%dma_start3A_50 : memref<10240xf32, #tpu.memory_space<vmem_shared>>) offsets(%arg5 : memref<80xi32, #tpu.memory_space<vmem>>) semaphore(%run_scoped3A : memref<!tpu.dma_semaphore, #tpu.memory_space<semaphore_mem>>) {add = true}
        %dma_wait3A = arith.constant 0 : i32
        %dma_wait3A_51 = tpu.memref_slice %arg7[%dma_wait3A] : memref<10240xf32, #tpu.memory_space<vmem_shared>> -> memref<10240xf32, #tpu.memory_space<vmem_shared>>
        tpu.wait_indirect_dma semaphore(%run_scoped3A : memref<!tpu.dma_semaphore, #tpu.memory_space<semaphore_mem>>) src(%arg6 : memref<80xf32, #tpu.memory_space<vmem>>) dst(%dma_wait3A_51 : memref<10240xf32, #tpu.memory_space<vmem_shared>>)
        tpu.yield
      }) : () -> ()
    }
    %scan3A_35 = arith.constant 125 : i32
    %barrier3A_36 = arith.constant 0 : index
    tpu.barrier barrier_id(%barrier3A_36)
    %mul3A_37 = arith.constant 640 : i32
    %mul3A_38 = arith.muli %arg1, %mul3A_37 : i32
    %mul3A_39 = arith.constant 10240 : i32
    %mul3A_40 = arith.muli %arg0, %mul3A_39 : i32
    %mul3A_41 = arith.constant 640 : i32
    %mul3A_42 = arith.muli %arg1, %mul3A_41 : i32
    %add3A_43 = arith.addi %mul3A_40, %mul3A_42 : i32
    "tpu.region"() ({
      %run_scoped3A = tpu.sem_alloc : memref<!tpu.dma_semaphore, #tpu.memory_space<semaphore_mem>>
      %dma_start3A = tpu.memref_slice %arg4[%add3A_43] : memref<20480xf32, #tpu.memory_space<hbm>> -> memref<640xf32, #tpu.memory_space<hbm>>
      %dma_start3A_44 = tpu.memref_slice %arg7[%mul3A_38] : memref<10240xf32, #tpu.memory_space<vmem_shared>> -> memref<640xf32, #tpu.memory_space<vmem_shared>>
      tpu.enqueue_dma source(%dma_start3A_44 : memref<640xf32, #tpu.memory_space<vmem_shared>>) target(%dma_start3A : memref<640xf32, #tpu.memory_space<hbm>>) target_semaphore(%run_scoped3A : memref<!tpu.dma_semaphore, #tpu.memory_space<semaphore_mem>>)
      %dma_wait3A = tpu.memref_slice %arg4[%add3A_43] : memref<20480xf32, #tpu.memory_space<hbm>> -> memref<640xf32, #tpu.memory_space<hbm>>
      %dma_wait3A_45 = tpu.memref_slice %arg7[%mul3A_38] : memref<10240xf32, #tpu.memory_space<vmem_shared>> -> memref<640xf32, #tpu.memory_space<vmem_shared>>
      tpu.wait_dma2 semaphore(%run_scoped3A : memref<!tpu.dma_semaphore, #tpu.memory_space<semaphore_mem>>) src(%dma_wait3A_45 : memref<640xf32, #tpu.memory_space<vmem_shared>>) dst(%dma_wait3A : memref<640xf32, #tpu.memory_space<hbm>>)
      tpu.yield
    }) : () -> ()
    return
  }
}

module attributes {stable_mosaic.version = 14 : i64} {
  func.func @_prep_kernel(%arg0: i32, %arg1: memref<1024x128xf32, #tpu.memory_space<vmem>>, %arg2: memref<128x256xf32, #tpu.memory_space<vmem>>, %arg3: memref<256x4xf32, #tpu.memory_space<vmem>>, %arg4: memref<256x4xf32, #tpu.memory_space<vmem>>, %arg5: memref<128x64xf32, #tpu.memory_space<vmem>>, %arg6: memref<2x1024xf32, #tpu.memory_space<vmem>>, %arg7: memref<1024x176xf32, #tpu.memory_space<vmem>>, %arg8: memref<1024x176xf32, #tpu.memory_space<vmem>>, %arg9: memref<1024x16xf32, #tpu.memory_space<vmem>>, %arg10: memref<1024x16xf32, #tpu.memory_space<vmem>>, %arg11: memref<1024x4xf32, #tpu.memory_space<vmem>>, %arg12: memref<1024xf32, #tpu.memory_space<vmem>>) attributes {dimension_semantics = [#tpu.dimension_semantics<arbitrary>], iteration_bounds = array<i64: 10>, scalar_prefetch = 0 : i64, scratch_operands = 0 : i64, tpu.core_type = #tpu.core_type<tc>, window_params = [{transform_indices = @transform_0, window_bounds = array<i64: 1024, 128>}, {pipeline_mode = #tpu.pipeline_mode<synchronous>, transform_indices = @transform_1, window_bounds = array<i64: 128, 256>}, {pipeline_mode = #tpu.pipeline_mode<synchronous>, transform_indices = @transform_2, window_bounds = array<i64: 256, 4>}, {pipeline_mode = #tpu.pipeline_mode<synchronous>, transform_indices = @transform_3, window_bounds = array<i64: 256, 4>}, {pipeline_mode = #tpu.pipeline_mode<synchronous>, transform_indices = @transform_4, window_bounds = array<i64: 128, 64>}, {transform_indices = @transform_5, window_bounds = array<i64: 2, 1024>}, {transform_indices = @transform_6, window_bounds = array<i64: 1024, 176>}, {transform_indices = @transform_7, window_bounds = array<i64: 1024, 176>}, {transform_indices = @transform_8, window_bounds = array<i64: 1024, 16>}, {transform_indices = @transform_9, window_bounds = array<i64: 1024, 16>}, {transform_indices = @transform_10, window_bounds = array<i64: 1024, 4>}, {transform_indices = @transform_11, window_bounds = array<i64: 1024>}]} {
    %get3A = arith.constant 0 : index
    %get3A_0 = arith.constant 0 : index
    %get3A_1 = vector.load %arg1[%get3A, %get3A_0] : memref<1024x128xf32, #tpu.memory_space<vmem>>, vector<1024x128xf32>
    %get3A_2 = arith.constant 0 : index
    %get3A_3 = arith.constant 0 : index
    %get3A_4 = vector.load %arg2[%get3A_2, %get3A_3] : memref<128x256xf32, #tpu.memory_space<vmem>>, vector<128x256xf32>
    %dot_general3A = arith.constant dense<0.000000e+00> : vector<1024x256xf32>
    %dot_general3A_5 = tpu.matmul %get3A_1, %get3A_4, %dot_general3A {dimension_numbers = #tpu.dot_dimension_numbers<[1], [0], [0], [1], [0, 0, 1, 1], [], []>, transpose_lhs_hint = false} : vector<1024x128xf32>, vector<128x256xf32>, vector<1024x256xf32> -> vector<1024x256xf32>
    %get3A_6 = arith.constant 0 : index
    %get3A_7 = arith.constant 0 : index
    %get3A_8 = vector.load %arg3[%get3A_6, %get3A_7] : memref<256x4xf32, #tpu.memory_space<vmem>>, vector<256x4xf32>
    %dot_general3A_9 = arith.constant dense<0.000000e+00> : vector<1024x4xf32>
    %dot_general3A_10 = tpu.matmul %dot_general3A_5, %get3A_8, %dot_general3A_9 {dimension_numbers = #tpu.dot_dimension_numbers<[1], [0], [0], [1], [0, 0, 1, 1], [], []>, transpose_lhs_hint = false} : vector<1024x256xf32>, vector<256x4xf32>, vector<1024x4xf32> -> vector<1024x4xf32>
    %get3A_11 = arith.constant 0 : index
    %get3A_12 = arith.constant 0 : index
    %get3A_13 = vector.load %arg4[%get3A_11, %get3A_12] : memref<256x4xf32, #tpu.memory_space<vmem>>, vector<256x4xf32>
    %dot_general3A_14 = arith.constant dense<0.000000e+00> : vector<1024x4xf32>
    %dot_general3A_15 = tpu.matmul %dot_general3A_5, %get3A_13, %dot_general3A_14 {dimension_numbers = #tpu.dot_dimension_numbers<[1], [0], [0], [1], [0, 0, 1, 1], [], []>, transpose_lhs_hint = false} : vector<1024x256xf32>, vector<256x4xf32>, vector<1024x4xf32> -> vector<1024x4xf32>
    %get3A_16 = arith.constant 0 : index
    %get3A_17 = arith.constant 0 : index
    %get3A_18 = vector.load %arg6[%get3A_16, %get3A_17] : memref<2x1024xf32, #tpu.memory_space<vmem>>, vector<1x1024xf32>
    %get3A_19 = vector.shape_cast %get3A_18 : vector<1x1024xf32> to vector<1024xf32>
    %get3A_20 = arith.constant 1 : index
    %get3A_21 = arith.constant 0 : index
    %get3A_22 = vector.load %arg6[%get3A_20, %get3A_21] : memref<2x1024xf32, #tpu.memory_space<vmem>>, vector<1x1024xf32>
    %get3A_23 = vector.shape_cast %get3A_22 : vector<1x1024xf32> to vector<1024xf32>
    %add3A = arith.addf %get3A_19, %get3A_23 : vector<1024xf32>
    %add3A_24 = arith.constant 1.000000e+00 : f32
    %add3A_25 = vector.broadcast %add3A_24 : f32 to vector<1024xf32>
    %add3A_26 = arith.addf %add3A, %add3A_25 : vector<1024xf32>
    %rsqrt3A = math.rsqrt %add3A_26 : vector<1024xf32>
    %get3A_27 = arith.constant 0 : index
    %get3A_28 = arith.constant 0 : index
    %get3A_29 = vector.load %arg5[%get3A_27, %get3A_28] : memref<128x64xf32, #tpu.memory_space<vmem>>, vector<128x64xf32>
    %dot_general3A_30 = arith.constant dense<0.000000e+00> : vector<1024x64xf32>
    %dot_general3A_31 = tpu.matmul %get3A_1, %get3A_29, %dot_general3A_30 {dimension_numbers = #tpu.dot_dimension_numbers<[1], [0], [0], [1], [0, 0, 1, 1], [], []>, transpose_lhs_hint = false} : vector<1024x128xf32>, vector<128x64xf32>, vector<1024x64xf32> -> vector<1024x64xf32>
    %broadcast_in_dim3A = vector.shape_cast %rsqrt3A : vector<1024xf32> to vector<1024x1xf32>
    %mul3A = vector.broadcast %broadcast_in_dim3A : vector<1024x1xf32> to vector<1024x64xf32>
    %mul3A_32 = arith.mulf %dot_general3A_31, %mul3A : vector<1024x64xf32>
    %slice3A = vector.extract_strided_slice %dot_general3A_5 {offsets = [0, 0], sizes = [1024, 64], strides = [1, 1]} : vector<1024x256xf32> to vector<1024x64xf32>
    %slice3A_33 = vector.extract_strided_slice %dot_general3A_5 {offsets = [0, 64], sizes = [1024, 64], strides = [1, 1]} : vector<1024x256xf32> to vector<1024x64xf32>
    %slice3A_34 = vector.extract_strided_slice %slice3A {offsets = [0, 0], sizes = [1024, 8], strides = [1, 1]} : vector<1024x64xf32> to vector<1024x8xf32>
    %slice3A_35 = vector.extract_strided_slice %slice3A_33 {offsets = [0, 0], sizes = [1024, 8], strides = [1, 1]} : vector<1024x64xf32> to vector<1024x8xf32>
    %slice3A_36 = vector.extract_strided_slice %slice3A {offsets = [0, 8], sizes = [1024, 8], strides = [1, 1]} : vector<1024x64xf32> to vector<1024x8xf32>
    %slice3A_37 = vector.extract_strided_slice %slice3A_33 {offsets = [0, 8], sizes = [1024, 8], strides = [1, 1]} : vector<1024x64xf32> to vector<1024x8xf32>
    %slice3A_38 = vector.extract_strided_slice %slice3A {offsets = [0, 16], sizes = [1024, 8], strides = [1, 1]} : vector<1024x64xf32> to vector<1024x8xf32>
    %slice3A_39 = vector.extract_strided_slice %slice3A_33 {offsets = [0, 16], sizes = [1024, 8], strides = [1, 1]} : vector<1024x64xf32> to vector<1024x8xf32>
    %slice3A_40 = vector.extract_strided_slice %slice3A {offsets = [0, 24], sizes = [1024, 8], strides = [1, 1]} : vector<1024x64xf32> to vector<1024x8xf32>
    %slice3A_41 = vector.extract_strided_slice %slice3A_33 {offsets = [0, 24], sizes = [1024, 8], strides = [1, 1]} : vector<1024x64xf32> to vector<1024x8xf32>
    %slice3A_42 = vector.extract_strided_slice %slice3A {offsets = [0, 32], sizes = [1024, 8], strides = [1, 1]} : vector<1024x64xf32> to vector<1024x8xf32>
    %slice3A_43 = vector.extract_strided_slice %slice3A_33 {offsets = [0, 32], sizes = [1024, 8], strides = [1, 1]} : vector<1024x64xf32> to vector<1024x8xf32>
    %slice3A_44 = vector.extract_strided_slice %slice3A {offsets = [0, 40], sizes = [1024, 8], strides = [1, 1]} : vector<1024x64xf32> to vector<1024x8xf32>
    %slice3A_45 = vector.extract_strided_slice %slice3A_33 {offsets = [0, 40], sizes = [1024, 8], strides = [1, 1]} : vector<1024x64xf32> to vector<1024x8xf32>
    %slice3A_46 = vector.extract_strided_slice %slice3A {offsets = [0, 48], sizes = [1024, 8], strides = [1, 1]} : vector<1024x64xf32> to vector<1024x8xf32>
    %slice3A_47 = vector.extract_strided_slice %slice3A_33 {offsets = [0, 48], sizes = [1024, 8], strides = [1, 1]} : vector<1024x64xf32> to vector<1024x8xf32>
    %slice3A_48 = vector.extract_strided_slice %slice3A {offsets = [0, 56], sizes = [1024, 8], strides = [1, 1]} : vector<1024x64xf32> to vector<1024x8xf32>
    %slice3A_49 = vector.extract_strided_slice %slice3A_33 {offsets = [0, 56], sizes = [1024, 8], strides = [1, 1]} : vector<1024x64xf32> to vector<1024x8xf32>
    %concatenate3A = tpu.concatenate %slice3A_34, %slice3A_35, %slice3A_36, %slice3A_37, %slice3A_38, %slice3A_39, %slice3A_40, %slice3A_41, %slice3A_42, %slice3A_43, %slice3A_44, %slice3A_45, %slice3A_46, %slice3A_47, %slice3A_48, %slice3A_49 in 1 : vector<1024x8xf32>, vector<1024x8xf32>, vector<1024x8xf32>, vector<1024x8xf32>, vector<1024x8xf32>, vector<1024x8xf32>, vector<1024x8xf32>, vector<1024x8xf32>, vector<1024x8xf32>, vector<1024x8xf32>, vector<1024x8xf32>, vector<1024x8xf32>, vector<1024x8xf32>, vector<1024x8xf32>, vector<1024x8xf32>, vector<1024x8xf32> -> vector<1024x128xf32>
    %slice3A_50 = vector.extract_strided_slice %dot_general3A_10 {offsets = [0, 0], sizes = [1024, 1], strides = [1, 1]} : vector<1024x4xf32> to vector<1024x1xf32>
    %slice3A_51 = vector.extract_strided_slice %dot_general3A_10 {offsets = [0, 1], sizes = [1024, 1], strides = [1, 1]} : vector<1024x4xf32> to vector<1024x1xf32>
    %broadcast_in_dim3A_52 = vector.shape_cast %slice3A_50 : vector<1024x1xf32> to vector<1024x1xf32>
    %broadcast_in_dim3A_53 = vector.broadcast %broadcast_in_dim3A_52 : vector<1024x1xf32> to vector<1024x8xf32>
    %broadcast_in_dim3A_54 = vector.shape_cast %slice3A_51 : vector<1024x1xf32> to vector<1024x1xf32>
    %broadcast_in_dim3A_55 = vector.broadcast %broadcast_in_dim3A_54 : vector<1024x1xf32> to vector<1024x8xf32>
    %concatenate3A_56 = tpu.concatenate %broadcast_in_dim3A_53, %broadcast_in_dim3A_55 in 1 : vector<1024x8xf32>, vector<1024x8xf32> -> vector<1024x16xf32>
    %slice3A_57 = vector.extract_strided_slice %mul3A_32 {offsets = [0, 0], sizes = [1024, 32], strides = [1, 1]} : vector<1024x64xf32> to vector<1024x32xf32>
    %concatenate3A_58 = tpu.concatenate %concatenate3A, %concatenate3A_56, %slice3A_57 in 1 : vector<1024x128xf32>, vector<1024x16xf32>, vector<1024x32xf32> -> vector<1024x176xf32>
    %swap3A = arith.constant 0 : index
    %swap3A_59 = arith.constant 0 : index
    %swap3A_60 = vector.load %arg7[%swap3A, %swap3A_59] : memref<1024x176xf32, #tpu.memory_space<vmem>>, vector<1024x176xf32>
    tpu.vector_store %arg7[%swap3A, %swap3A_59], %concatenate3A_58 {strides = array<i32>} : memref<1024x176xf32, #tpu.memory_space<vmem>>, vector<1024x176xf32>,
    %slice3A_61 = vector.extract_strided_slice %dot_general3A_5 {offsets = [0, 128], sizes = [1024, 64], strides = [1, 1]} : vector<1024x256xf32> to vector<1024x64xf32>
    %slice3A_62 = vector.extract_strided_slice %dot_general3A_5 {offsets = [0, 192], sizes = [1024, 64], strides = [1, 1]} : vector<1024x256xf32> to vector<1024x64xf32>
    %slice3A_63 = vector.extract_strided_slice %slice3A_61 {offsets = [0, 0], sizes = [1024, 8], strides = [1, 1]} : vector<1024x64xf32> to vector<1024x8xf32>
    %slice3A_64 = vector.extract_strided_slice %slice3A_62 {offsets = [0, 0], sizes = [1024, 8], strides = [1, 1]} : vector<1024x64xf32> to vector<1024x8xf32>
    %slice3A_65 = vector.extract_strided_slice %slice3A_61 {offsets = [0, 8], sizes = [1024, 8], strides = [1, 1]} : vector<1024x64xf32> to vector<1024x8xf32>
    %slice3A_66 = vector.extract_strided_slice %slice3A_62 {offsets = [0, 8], sizes = [1024, 8], strides = [1, 1]} : vector<1024x64xf32> to vector<1024x8xf32>
    %slice3A_67 = vector.extract_strided_slice %slice3A_61 {offsets = [0, 16], sizes = [1024, 8], strides = [1, 1]} : vector<1024x64xf32> to vector<1024x8xf32>
    %slice3A_68 = vector.extract_strided_slice %slice3A_62 {offsets = [0, 16], sizes = [1024, 8], strides = [1, 1]} : vector<1024x64xf32> to vector<1024x8xf32>
    %slice3A_69 = vector.extract_strided_slice %slice3A_61 {offsets = [0, 24], sizes = [1024, 8], strides = [1, 1]} : vector<1024x64xf32> to vector<1024x8xf32>
    %slice3A_70 = vector.extract_strided_slice %slice3A_62 {offsets = [0, 24], sizes = [1024, 8], strides = [1, 1]} : vector<1024x64xf32> to vector<1024x8xf32>
    %slice3A_71 = vector.extract_strided_slice %slice3A_61 {offsets = [0, 32], sizes = [1024, 8], strides = [1, 1]} : vector<1024x64xf32> to vector<1024x8xf32>
    %slice3A_72 = vector.extract_strided_slice %slice3A_62 {offsets = [0, 32], sizes = [1024, 8], strides = [1, 1]} : vector<1024x64xf32> to vector<1024x8xf32>
    %slice3A_73 = vector.extract_strided_slice %slice3A_61 {offsets = [0, 40], sizes = [1024, 8], strides = [1, 1]} : vector<1024x64xf32> to vector<1024x8xf32>
    %slice3A_74 = vector.extract_strided_slice %slice3A_62 {offsets = [0, 40], sizes = [1024, 8], strides = [1, 1]} : vector<1024x64xf32> to vector<1024x8xf32>
    %slice3A_75 = vector.extract_strided_slice %slice3A_61 {offsets = [0, 48], sizes = [1024, 8], strides = [1, 1]} : vector<1024x64xf32> to vector<1024x8xf32>
    %slice3A_76 = vector.extract_strided_slice %slice3A_62 {offsets = [0, 48], sizes = [1024, 8], strides = [1, 1]} : vector<1024x64xf32> to vector<1024x8xf32>
    %slice3A_77 = vector.extract_strided_slice %slice3A_61 {offsets = [0, 56], sizes = [1024, 8], strides = [1, 1]} : vector<1024x64xf32> to vector<1024x8xf32>
    %slice3A_78 = vector.extract_strided_slice %slice3A_62 {offsets = [0, 56], sizes = [1024, 8], strides = [1, 1]} : vector<1024x64xf32> to vector<1024x8xf32>
    %concatenate3A_79 = tpu.concatenate %slice3A_63, %slice3A_64, %slice3A_65, %slice3A_66, %slice3A_67, %slice3A_68, %slice3A_69, %slice3A_70, %slice3A_71, %slice3A_72, %slice3A_73, %slice3A_74, %slice3A_75, %slice3A_76, %slice3A_77, %slice3A_78 in 1 : vector<1024x8xf32>, vector<1024x8xf32>, vector<1024x8xf32>, vector<1024x8xf32>, vector<1024x8xf32>, vector<1024x8xf32>, vector<1024x8xf32>, vector<1024x8xf32>, vector<1024x8xf32>, vector<1024x8xf32>, vector<1024x8xf32>, vector<1024x8xf32>, vector<1024x8xf32>, vector<1024x8xf32>, vector<1024x8xf32>, vector<1024x8xf32> -> vector<1024x128xf32>
    %slice3A_80 = vector.extract_strided_slice %dot_general3A_10 {offsets = [0, 2], sizes = [1024, 1], strides = [1, 1]} : vector<1024x4xf32> to vector<1024x1xf32>
    %slice3A_81 = vector.extract_strided_slice %dot_general3A_10 {offsets = [0, 3], sizes = [1024, 1], strides = [1, 1]} : vector<1024x4xf32> to vector<1024x1xf32>
    %broadcast_in_dim3A_82 = vector.shape_cast %slice3A_80 : vector<1024x1xf32> to vector<1024x1xf32>
    %broadcast_in_dim3A_83 = vector.broadcast %broadcast_in_dim3A_82 : vector<1024x1xf32> to vector<1024x8xf32>
    %broadcast_in_dim3A_84 = vector.shape_cast %slice3A_81 : vector<1024x1xf32> to vector<1024x1xf32>
    %broadcast_in_dim3A_85 = vector.broadcast %broadcast_in_dim3A_84 : vector<1024x1xf32> to vector<1024x8xf32>
    %concatenate3A_86 = tpu.concatenate %broadcast_in_dim3A_83, %broadcast_in_dim3A_85 in 1 : vector<1024x8xf32>, vector<1024x8xf32> -> vector<1024x16xf32>
    %slice3A_87 = vector.extract_strided_slice %mul3A_32 {offsets = [0, 32], sizes = [1024, 32], strides = [1, 1]} : vector<1024x64xf32> to vector<1024x32xf32>
    %concatenate3A_88 = tpu.concatenate %concatenate3A_79, %concatenate3A_86, %slice3A_87 in 1 : vector<1024x128xf32>, vector<1024x16xf32>, vector<1024x32xf32> -> vector<1024x176xf32>
    %swap3A_89 = arith.constant 0 : index
    %swap3A_90 = arith.constant 0 : index
    %swap3A_91 = vector.load %arg8[%swap3A_89, %swap3A_90] : memref<1024x176xf32, #tpu.memory_space<vmem>>, vector<1024x176xf32>
    tpu.vector_store %arg8[%swap3A_89, %swap3A_90], %concatenate3A_88 {strides = array<i32>} : memref<1024x176xf32, #tpu.memory_space<vmem>>, vector<1024x176xf32>,
    %slice3A_92 = vector.extract_strided_slice %dot_general3A_15 {offsets = [0, 0], sizes = [1024, 1], strides = [1, 1]} : vector<1024x4xf32> to vector<1024x1xf32>
    %slice3A_93 = vector.extract_strided_slice %dot_general3A_15 {offsets = [0, 1], sizes = [1024, 1], strides = [1, 1]} : vector<1024x4xf32> to vector<1024x1xf32>
    %broadcast_in_dim3A_94 = vector.shape_cast %slice3A_92 : vector<1024x1xf32> to vector<1024x1xf32>
    %broadcast_in_dim3A_95 = vector.broadcast %broadcast_in_dim3A_94 : vector<1024x1xf32> to vector<1024x8xf32>
    %broadcast_in_dim3A_96 = vector.shape_cast %slice3A_93 : vector<1024x1xf32> to vector<1024x1xf32>
    %broadcast_in_dim3A_97 = vector.broadcast %broadcast_in_dim3A_96 : vector<1024x1xf32> to vector<1024x8xf32>
    %concatenate3A_98 = tpu.concatenate %broadcast_in_dim3A_95, %broadcast_in_dim3A_97 in 1 : vector<1024x8xf32>, vector<1024x8xf32> -> vector<1024x16xf32>
    %swap3A_99 = arith.constant 0 : index
    %swap3A_100 = arith.constant 0 : index
    %swap3A_101 = vector.load %arg9[%swap3A_99, %swap3A_100] : memref<1024x16xf32, #tpu.memory_space<vmem>>, vector<1024x16xf32>
    tpu.vector_store %arg9[%swap3A_99, %swap3A_100], %concatenate3A_98 {strides = array<i32>} : memref<1024x16xf32, #tpu.memory_space<vmem>>, vector<1024x16xf32>,
    %slice3A_102 = vector.extract_strided_slice %dot_general3A_15 {offsets = [0, 2], sizes = [1024, 1], strides = [1, 1]} : vector<1024x4xf32> to vector<1024x1xf32>
    %slice3A_103 = vector.extract_strided_slice %dot_general3A_15 {offsets = [0, 3], sizes = [1024, 1], strides = [1, 1]} : vector<1024x4xf32> to vector<1024x1xf32>
    %broadcast_in_dim3A_104 = vector.shape_cast %slice3A_102 : vector<1024x1xf32> to vector<1024x1xf32>
    %broadcast_in_dim3A_105 = vector.broadcast %broadcast_in_dim3A_104 : vector<1024x1xf32> to vector<1024x8xf32>
    %broadcast_in_dim3A_106 = vector.shape_cast %slice3A_103 : vector<1024x1xf32> to vector<1024x1xf32>
    %broadcast_in_dim3A_107 = vector.broadcast %broadcast_in_dim3A_106 : vector<1024x1xf32> to vector<1024x8xf32>
    %concatenate3A_108 = tpu.concatenate %broadcast_in_dim3A_105, %broadcast_in_dim3A_107 in 1 : vector<1024x8xf32>, vector<1024x8xf32> -> vector<1024x16xf32>
    %swap3A_109 = arith.constant 0 : index
    %swap3A_110 = arith.constant 0 : index
    %swap3A_111 = vector.load %arg10[%swap3A_109, %swap3A_110] : memref<1024x16xf32, #tpu.memory_space<vmem>>, vector<1024x16xf32>
    tpu.vector_store %arg10[%swap3A_109, %swap3A_110], %concatenate3A_108 {strides = array<i32>} : memref<1024x16xf32, #tpu.memory_space<vmem>>, vector<1024x16xf32>,
    %add3A_112 = arith.addf %dot_general3A_10, %dot_general3A_15 : vector<1024x4xf32>
    %gt3A = arith.constant 0.000000e+00 : f32
    %gt3A_113 = vector.broadcast %gt3A : f32 to vector<1024x4xf32>
    %gt3A_114 = arith.cmpf ogt, %add3A_112, %gt3A_113 : vector<1024x4xf32>
    %mul3A_115 = arith.constant 2.000000e-01 : f32
    %mul3A_116 = vector.broadcast %mul3A_115 : f32 to vector<1024x4xf32>
    %mul3A_117 = arith.mulf %mul3A_116, %add3A_112 : vector<1024x4xf32>
    %select_n3A = arith.select %gt3A_114, %add3A_112, %mul3A_117 : vector<1024x4xi1>, vector<1024x4xf32>
    %exp3A = math.exp %select_n3A : vector<1024x4xf32>
    %swap3A_118 = arith.constant 0 : index
    %swap3A_119 = arith.constant 0 : index
    %swap3A_120 = vector.load %arg11[%swap3A_118, %swap3A_119] : memref<1024x4xf32, #tpu.memory_space<vmem>>, vector<1024x4xf32>
    tpu.vector_store %arg11[%swap3A_118, %swap3A_119], %exp3A {strides = array<i32>} : memref<1024x4xf32, #tpu.memory_space<vmem>>, vector<1024x4xf32>,
    %swap3A_121 = arith.constant 0 : index
    %swap3A_122 = vector.load %arg12[%swap3A_121] : memref<1024xf32, #tpu.memory_space<vmem>>, vector<1024xf32>
    tpu.vector_store %arg12[%swap3A_121], %rsqrt3A {strides = array<i32>} : memref<1024xf32, #tpu.memory_space<vmem>>, vector<1024xf32>,
    return
  }
  func.func @transform_0(%arg0: i32) -> (i32, i32) {
    %c0_i32 = arith.constant 0 : i32
    %c0_i32_0 = arith.constant 0 : i32
    return %arg0, %c0_i32 : i32, i32
  }
  func.func @transform_1(%arg0: i32) -> (i32, i32) {
    %c0_i32 = arith.constant 0 : i32
    %c0_i32_0 = arith.constant 0 : i32
    %c0_i32_1 = arith.constant 0 : i32
    return %c0_i32, %c0_i32_0 : i32, i32
  }
  func.func @transform_2(%arg0: i32) -> (i32, i32) {
    %c0_i32 = arith.constant 0 : i32
    %c0_i32_0 = arith.constant 0 : i32
    %c0_i32_1 = arith.constant 0 : i32
    return %c0_i32, %c0_i32_0 : i32, i32
  }
  func.func @transform_3(%arg0: i32) -> (i32, i32) {
    %c0_i32 = arith.constant 0 : i32
    %c0_i32_0 = arith.constant 0 : i32
    %c0_i32_1 = arith.constant 0 : i32
    return %c0_i32, %c0_i32_0 : i32, i32
  }
  func.func @transform_4(%arg0: i32) -> (i32, i32) {
    %c0_i32 = arith.constant 0 : i32
    %c0_i32_0 = arith.constant 0 : i32
    %c0_i32_1 = arith.constant 0 : i32
    return %c0_i32, %c0_i32_0 : i32, i32
  }
  func.func @transform_5(%arg0: i32) -> (i32, i32) {
    %c0_i32 = arith.constant 0 : i32
    %c0_i32_0 = arith.constant 0 : i32
    return %c0_i32, %arg0 : i32, i32
  }
  func.func @transform_6(%arg0: i32) -> (i32, i32) {
    %c0_i32 = arith.constant 0 : i32
    %c0_i32_0 = arith.constant 0 : i32
    return %arg0, %c0_i32 : i32, i32
  }
  func.func @transform_7(%arg0: i32) -> (i32, i32) {
    %c0_i32 = arith.constant 0 : i32
    %c0_i32_0 = arith.constant 0 : i32
    return %arg0, %c0_i32 : i32, i32
  }
  func.func @transform_8(%arg0: i32) -> (i32, i32) {
    %c0_i32 = arith.constant 0 : i32
    %c0_i32_0 = arith.constant 0 : i32
    return %arg0, %c0_i32 : i32, i32
  }
  func.func @transform_9(%arg0: i32) -> (i32, i32) {
    %c0_i32 = arith.constant 0 : i32
    %c0_i32_0 = arith.constant 0 : i32
    return %arg0, %c0_i32 : i32, i32
  }
  func.func @transform_10(%arg0: i32) -> (i32, i32) {
    %c0_i32 = arith.constant 0 : i32
    %c0_i32_0 = arith.constant 0 : i32
    return %arg0, %c0_i32 : i32, i32
  }
  func.func @transform_11(%arg0: i32) -> i32 {
    %c0_i32 = arith.constant 0 : i32
    return %arg0 : i32
  }
}

module attributes {stable_mosaic.version = 14 : i64} {
  func.func @_mid_kernel(%arg0: i32, %arg1: memref<1024x176xf32, #tpu.memory_space<vmem>>, %arg2: memref<1024x176xf32, #tpu.memory_space<vmem>>, %arg3: memref<1024x176xf32, #tpu.memory_space<vmem>>, %arg4: memref<1024x176xf32, #tpu.memory_space<vmem>>, %arg5: memref<1024x4xf32, #tpu.memory_space<vmem>>, %arg6: memref<1024xf32, #tpu.memory_space<vmem>>, %arg7: memref<256xf32, #tpu.memory_space<vmem>>, %arg8: memref<256x64xf32, #tpu.memory_space<vmem>>, %arg9: memref<64x1xf32, #tpu.memory_space<vmem>>, %arg10: memref<64x1xf32, #tpu.memory_space<vmem>>, %arg11: memref<64xf32, #tpu.memory_space<vmem>>, %arg12: memref<1024x80xf32, #tpu.memory_space<vmem>>, %arg13: memref<1024x16xf32, #tpu.memory_space<vmem>>, %arg14: memref<1024x64xf32, #tpu.memory_space<vmem>>, %arg15: memref<1024xf32, #tpu.memory_space<vmem>>) attributes {dimension_semantics = [#tpu.dimension_semantics<arbitrary>], iteration_bounds = array<i64: 10>, scalar_prefetch = 0 : i64, scratch_operands = 0 : i64, tpu.core_type = #tpu.core_type<tc>, window_params = [{transform_indices = @transform_0, window_bounds = array<i64: 1024, 176>}, {transform_indices = @transform_1, window_bounds = array<i64: 1024, 176>}, {transform_indices = @transform_2, window_bounds = array<i64: 1024, 176>}, {transform_indices = @transform_3, window_bounds = array<i64: 1024, 176>}, {transform_indices = @transform_4, window_bounds = array<i64: 1024, 4>}, {transform_indices = @transform_5, window_bounds = array<i64: 1024>}, {pipeline_mode = #tpu.pipeline_mode<synchronous>, transform_indices = @transform_6, window_bounds = array<i64: 256>}, {pipeline_mode = #tpu.pipeline_mode<synchronous>, transform_indices = @transform_7, window_bounds = array<i64: 256, 64>}, {pipeline_mode = #tpu.pipeline_mode<synchronous>, transform_indices = @transform_8, window_bounds = array<i64: 64, 1>}, {pipeline_mode = #tpu.pipeline_mode<synchronous>, transform_indices = @transform_9, window_bounds = array<i64: 64, 1>}, {pipeline_mode = #tpu.pipeline_mode<synchronous>, transform_indices = @transform_10, window_bounds = array<i64: 64>}, {transform_indices = @transform_11, window_bounds = array<i64: 1024, 80>}, {transform_indices = @transform_12, window_bounds = array<i64: 1024, 16>}, {transform_indices = @transform_13, window_bounds = array<i64: 1024, 64>}, {transform_indices = @transform_14, window_bounds = array<i64: 1024>}]} {
    %get3A = arith.constant 0 : index
    %get3A_0 = arith.constant 0 : index
    %get3A_1 = vector.load %arg1[%get3A, %get3A_0] : memref<1024x176xf32, #tpu.memory_space<vmem>>, vector<1024x176xf32>
    %get3A_2 = arith.constant 0 : index
    %get3A_3 = arith.constant 0 : index
    %get3A_4 = vector.load %arg2[%get3A_2, %get3A_3] : memref<1024x176xf32, #tpu.memory_space<vmem>>, vector<1024x176xf32>
    %get3A_5 = arith.constant 0 : index
    %get3A_6 = arith.constant 0 : index
    %get3A_7 = vector.load %arg3[%get3A_5, %get3A_6] : memref<1024x176xf32, #tpu.memory_space<vmem>>, vector<1024x176xf32>
    %get3A_8 = arith.constant 0 : index
    %get3A_9 = arith.constant 0 : index
    %get3A_10 = vector.load %arg4[%get3A_8, %get3A_9] : memref<1024x176xf32, #tpu.memory_space<vmem>>, vector<1024x176xf32>
    %get3A_11 = arith.constant 0 : index
    %get3A_12 = arith.constant 0 : index
    %get3A_13 = vector.load %arg5[%get3A_11, %get3A_12] : memref<1024x4xf32, #tpu.memory_space<vmem>>, vector<1024x4xf32>
    %get3A_14 = arith.constant 0 : index
    %get3A_15 = vector.load %arg7[%get3A_14] : memref<256xf32, #tpu.memory_space<vmem>>, vector<256xf32>
    %slice3A = vector.extract_strided_slice %get3A_1 {offsets = [0, 128], sizes = [1024, 1], strides = [1, 1]} : vector<1024x176xf32> to vector<1024x1xf32>
    %slice3A_16 = vector.extract_strided_slice %get3A_13 {offsets = [0, 0], sizes = [1024, 1], strides = [1, 1]} : vector<1024x4xf32> to vector<1024x1xf32>
    %add3A = arith.addf %slice3A, %slice3A_16 : vector<1024x1xf32>
    %slice3A_17 = vector.extract_strided_slice %get3A_1 {offsets = [0, 136], sizes = [1024, 1], strides = [1, 1]} : vector<1024x176xf32> to vector<1024x1xf32>
    %slice3A_18 = vector.extract_strided_slice %get3A_13 {offsets = [0, 1], sizes = [1024, 1], strides = [1, 1]} : vector<1024x4xf32> to vector<1024x1xf32>
    %add3A_19 = arith.addf %slice3A_17, %slice3A_18 : vector<1024x1xf32>
    %broadcast_in_dim3A = vector.shape_cast %add3A : vector<1024x1xf32> to vector<1024x1xf32>
    %broadcast_in_dim3A_20 = vector.broadcast %broadcast_in_dim3A : vector<1024x1xf32> to vector<1024x8xf32>
    %broadcast_in_dim3A_21 = vector.shape_cast %add3A_19 : vector<1024x1xf32> to vector<1024x1xf32>
    %broadcast_in_dim3A_22 = vector.broadcast %broadcast_in_dim3A_21 : vector<1024x1xf32> to vector<1024x8xf32>
    %concatenate3A = tpu.concatenate %broadcast_in_dim3A_20, %broadcast_in_dim3A_22 in 1 : vector<1024x8xf32>, vector<1024x8xf32> -> vector<1024x16xf32>
    %add3A_23 = arith.constant 1.000000e-16 : f32
    %add3A_24 = vector.broadcast %add3A_23 : f32 to vector<1024x16xf32>
    %add3A_25 = arith.addf %concatenate3A, %add3A_24 : vector<1024x16xf32>
    %slice3A_26 = vector.extract_strided_slice %get3A_13 {offsets = [0, 0], sizes = [1024, 1], strides = [1, 1]} : vector<1024x4xf32> to vector<1024x1xf32>
    %slice3A_27 = vector.extract_strided_slice %get3A_13 {offsets = [0, 1], sizes = [1024, 1], strides = [1, 1]} : vector<1024x4xf32> to vector<1024x1xf32>
    %broadcast_in_dim3A_28 = vector.shape_cast %slice3A_26 : vector<1024x1xf32> to vector<1024x1xf32>
    %broadcast_in_dim3A_29 = vector.broadcast %broadcast_in_dim3A_28 : vector<1024x1xf32> to vector<1024x8xf32>
    %broadcast_in_dim3A_30 = vector.shape_cast %slice3A_27 : vector<1024x1xf32> to vector<1024x1xf32>
    %broadcast_in_dim3A_31 = vector.broadcast %broadcast_in_dim3A_30 : vector<1024x1xf32> to vector<1024x8xf32>
    %concatenate3A_32 = tpu.concatenate %broadcast_in_dim3A_29, %broadcast_in_dim3A_31 in 1 : vector<1024x8xf32>, vector<1024x8xf32> -> vector<1024x16xf32>
    %tile3A = tpu.concatenate %add3A_25, %add3A_25, %add3A_25, %add3A_25, %add3A_25, %add3A_25, %add3A_25, %add3A_25 in 1 : vector<1024x16xf32>, vector<1024x16xf32>, vector<1024x16xf32>, vector<1024x16xf32>, vector<1024x16xf32>, vector<1024x16xf32>, vector<1024x16xf32>, vector<1024x16xf32> -> vector<1024x128xf32>
    %tile3A_33 = tpu.concatenate %concatenate3A_32, %concatenate3A_32, %concatenate3A_32, %concatenate3A_32, %concatenate3A_32, %concatenate3A_32, %concatenate3A_32, %concatenate3A_32 in 1 : vector<1024x16xf32>, vector<1024x16xf32>, vector<1024x16xf32>, vector<1024x16xf32>, vector<1024x16xf32>, vector<1024x16xf32>, vector<1024x16xf32>, vector<1024x16xf32> -> vector<1024x128xf32>
    %slice3A_34 = vector.extract_strided_slice %get3A_1 {offsets = [0, 0], sizes = [1024, 128], strides = [1, 1]} : vector<1024x176xf32> to vector<1024x128xf32>
    %slice3A_35 = vector.extract_strided_slice %get3A_7 {offsets = [0, 0], sizes = [1024, 128], strides = [1, 1]} : vector<1024x176xf32> to vector<1024x128xf32>
    %mul3A = arith.mulf %tile3A_33, %slice3A_35 : vector<1024x128xf32>
    %add3A_36 = arith.addf %slice3A_34, %mul3A : vector<1024x128xf32>
    %div3A = arith.divf %add3A_36, %tile3A : vector<1024x128xf32>
    %slice3A_37 = vector.extract_strided_slice %get3A_15 {offsets = [0], sizes = [128], strides = [1]} : vector<256xf32> to vector<128xf32>
    %broadcast_in_dim3A_38 = vector.shape_cast %slice3A_37 : vector<128xf32> to vector<1x128xf32>
    %add3A_39 = vector.broadcast %broadcast_in_dim3A_38 : vector<1x128xf32> to vector<1024x128xf32>
    %add3A_40 = arith.addf %div3A, %add3A_39 : vector<1024x128xf32>
    %gt3A = arith.constant 0.000000e+00 : f32
    %gt3A_41 = vector.broadcast %gt3A : f32 to vector<1024x128xf32>
    %gt3A_42 = arith.cmpf ogt, %add3A_40, %gt3A_41 : vector<1024x128xf32>
    %exp3A = math.exp %add3A_40 : vector<1024x128xf32>
    %sub3A = arith.constant 1.000000e+00 : f32
    %sub3A_43 = vector.broadcast %sub3A : f32 to vector<1024x128xf32>
    %sub3A_44 = arith.subf %exp3A, %sub3A_43 : vector<1024x128xf32>
    %select_n3A = arith.select %gt3A_42, %add3A_40, %sub3A_44 : vector<1024x128xi1>, vector<1024x128xf32>
    %slice3A_45 = vector.extract_strided_slice %get3A_4 {offsets = [0, 128], sizes = [1024, 1], strides = [1, 1]} : vector<1024x176xf32> to vector<1024x1xf32>
    %slice3A_46 = vector.extract_strided_slice %get3A_13 {offsets = [0, 2], sizes = [1024, 1], strides = [1, 1]} : vector<1024x4xf32> to vector<1024x1xf32>
    %add3A_47 = arith.addf %slice3A_45, %slice3A_46 : vector<1024x1xf32>
    %slice3A_48 = vector.extract_strided_slice %get3A_4 {offsets = [0, 136], sizes = [1024, 1], strides = [1, 1]} : vector<1024x176xf32> to vector<1024x1xf32>
    %slice3A_49 = vector.extract_strided_slice %get3A_13 {offsets = [0, 3], sizes = [1024, 1], strides = [1, 1]} : vector<1024x4xf32> to vector<1024x1xf32>
    %add3A_50 = arith.addf %slice3A_48, %slice3A_49 : vector<1024x1xf32>
    %broadcast_in_dim3A_51 = vector.shape_cast %add3A_47 : vector<1024x1xf32> to vector<1024x1xf32>
    %broadcast_in_dim3A_52 = vector.broadcast %broadcast_in_dim3A_51 : vector<1024x1xf32> to vector<1024x8xf32>
    %broadcast_in_dim3A_53 = vector.shape_cast %add3A_50 : vector<1024x1xf32> to vector<1024x1xf32>
    %broadcast_in_dim3A_54 = vector.broadcast %broadcast_in_dim3A_53 : vector<1024x1xf32> to vector<1024x8xf32>
    %concatenate3A_55 = tpu.concatenate %broadcast_in_dim3A_52, %broadcast_in_dim3A_54 in 1 : vector<1024x8xf32>, vector<1024x8xf32> -> vector<1024x16xf32>
    %add3A_56 = arith.constant 1.000000e-16 : f32
    %add3A_57 = vector.broadcast %add3A_56 : f32 to vector<1024x16xf32>
    %add3A_58 = arith.addf %concatenate3A_55, %add3A_57 : vector<1024x16xf32>
    %slice3A_59 = vector.extract_strided_slice %get3A_13 {offsets = [0, 2], sizes = [1024, 1], strides = [1, 1]} : vector<1024x4xf32> to vector<1024x1xf32>
    %slice3A_60 = vector.extract_strided_slice %get3A_13 {offsets = [0, 3], sizes = [1024, 1], strides = [1, 1]} : vector<1024x4xf32> to vector<1024x1xf32>
    %broadcast_in_dim3A_61 = vector.shape_cast %slice3A_59 : vector<1024x1xf32> to vector<1024x1xf32>
    %broadcast_in_dim3A_62 = vector.broadcast %broadcast_in_dim3A_61 : vector<1024x1xf32> to vector<1024x8xf32>
    %broadcast_in_dim3A_63 = vector.shape_cast %slice3A_60 : vector<1024x1xf32> to vector<1024x1xf32>
    %broadcast_in_dim3A_64 = vector.broadcast %broadcast_in_dim3A_63 : vector<1024x1xf32> to vector<1024x8xf32>
    %concatenate3A_65 = tpu.concatenate %broadcast_in_dim3A_62, %broadcast_in_dim3A_64 in 1 : vector<1024x8xf32>, vector<1024x8xf32> -> vector<1024x16xf32>
    %tile3A_66 = tpu.concatenate %add3A_58, %add3A_58, %add3A_58, %add3A_58, %add3A_58, %add3A_58, %add3A_58, %add3A_58 in 1 : vector<1024x16xf32>, vector<1024x16xf32>, vector<1024x16xf32>, vector<1024x16xf32>, vector<1024x16xf32>, vector<1024x16xf32>, vector<1024x16xf32>, vector<1024x16xf32> -> vector<1024x128xf32>
    %tile3A_67 = tpu.concatenate %concatenate3A_65, %concatenate3A_65, %concatenate3A_65, %concatenate3A_65, %concatenate3A_65, %concatenate3A_65, %concatenate3A_65, %concatenate3A_65 in 1 : vector<1024x16xf32>, vector<1024x16xf32>, vector<1024x16xf32>, vector<1024x16xf32>, vector<1024x16xf32>, vector<1024x16xf32>, vector<1024x16xf32>, vector<1024x16xf32> -> vector<1024x128xf32>
    %slice3A_68 = vector.extract_strided_slice %get3A_4 {offsets = [0, 0], sizes = [1024, 128], strides = [1, 1]} : vector<1024x176xf32> to vector<1024x128xf32>
    %slice3A_69 = vector.extract_strided_slice %get3A_10 {offsets = [0, 0], sizes = [1024, 128], strides = [1, 1]} : vector<1024x176xf32> to vector<1024x128xf32>
    %mul3A_70 = arith.mulf %tile3A_67, %slice3A_69 : vector<1024x128xf32>
    %add3A_71 = arith.addf %slice3A_68, %mul3A_70 : vector<1024x128xf32>
    %div3A_72 = arith.divf %add3A_71, %tile3A_66 : vector<1024x128xf32>
    %slice3A_73 = vector.extract_strided_slice %get3A_15 {offsets = [128], sizes = [128], strides = [1]} : vector<256xf32> to vector<128xf32>
    %broadcast_in_dim3A_74 = vector.shape_cast %slice3A_73 : vector<128xf32> to vector<1x128xf32>
    %add3A_75 = vector.broadcast %broadcast_in_dim3A_74 : vector<1x128xf32> to vector<1024x128xf32>
    %add3A_76 = arith.addf %div3A_72, %add3A_75 : vector<1024x128xf32>
    %gt3A_77 = arith.constant 0.000000e+00 : f32
    %gt3A_78 = vector.broadcast %gt3A_77 : f32 to vector<1024x128xf32>
    %gt3A_79 = arith.cmpf ogt, %add3A_76, %gt3A_78 : vector<1024x128xf32>
    %exp3A_80 = math.exp %add3A_76 : vector<1024x128xf32>
    %sub3A_81 = arith.constant 1.000000e+00 : f32
    %sub3A_82 = vector.broadcast %sub3A_81 : f32 to vector<1024x128xf32>
    %sub3A_83 = arith.subf %exp3A_80, %sub3A_82 : vector<1024x128xf32>
    %select_n3A_84 = arith.select %gt3A_79, %add3A_76, %sub3A_83 : vector<1024x128xi1>, vector<1024x128xf32>
    %concatenate3A_85 = tpu.concatenate %select_n3A, %select_n3A_84 in 1 : vector<1024x128xf32>, vector<1024x128xf32> -> vector<1024x256xf32>
    %get3A_86 = arith.constant 0 : index
    %get3A_87 = arith.constant 0 : index
    %get3A_88 = vector.load %arg8[%get3A_86, %get3A_87] : memref<256x64xf32, #tpu.memory_space<vmem>>, vector<256x64xf32>
    %dot_general3A = arith.constant dense<0.000000e+00> : vector<1024x64xf32>
    %dot_general3A_89 = tpu.matmul %concatenate3A_85, %get3A_88, %dot_general3A {dimension_numbers = #tpu.dot_dimension_numbers<[1], [0], [0], [1], [0, 0, 1, 1], [], []>, transpose_lhs_hint = false} : vector<1024x256xf32>, vector<256x64xf32>, vector<1024x64xf32> -> vector<1024x64xf32>
    %get3A_90 = arith.constant 0 : index
    %get3A_91 = arith.constant 0 : index
    %get3A_92 = vector.load %arg9[%get3A_90, %get3A_91] : memref<64x1xf32, #tpu.memory_space<vmem>>, vector<64x1xf32>
    %dot_general3A_93 = arith.constant dense<0.000000e+00> : vector<1024x1xf32>
    %dot_general3A_94 = tpu.matmul %dot_general3A_89, %get3A_92, %dot_general3A_93 {dimension_numbers = #tpu.dot_dimension_numbers<[1], [0], [0], [1], [0, 0, 1, 1], [], []>, transpose_lhs_hint = false} : vector<1024x64xf32>, vector<64x1xf32>, vector<1024x1xf32> -> vector<1024x1xf32>
    %get3A_95 = arith.constant 0 : index
    %get3A_96 = arith.constant 0 : index
    %get3A_97 = vector.load %arg10[%get3A_95, %get3A_96] : memref<64x1xf32, #tpu.memory_space<vmem>>, vector<64x1xf32>
    %dot_general3A_98 = arith.constant dense<0.000000e+00> : vector<1024x1xf32>
    %dot_general3A_99 = tpu.matmul %dot_general3A_89, %get3A_97, %dot_general3A_98 {dimension_numbers = #tpu.dot_dimension_numbers<[1], [0], [0], [1], [0, 0, 1, 1], [], []>, transpose_lhs_hint = false} : vector<1024x64xf32>, vector<64x1xf32>, vector<1024x1xf32> -> vector<1024x1xf32>
    %broadcast_in_dim3A_100 = vector.shape_cast %dot_general3A_94 : vector<1024x1xf32> to vector<1024x1xf32>
    %broadcast_in_dim3A_101 = vector.broadcast %broadcast_in_dim3A_100 : vector<1024x1xf32> to vector<1024x16xf32>
    %concatenate3A_102 = tpu.concatenate %dot_general3A_89, %broadcast_in_dim3A_101 in 1 : vector<1024x64xf32>, vector<1024x16xf32> -> vector<1024x80xf32>
    %swap3A = arith.constant 0 : index
    %swap3A_103 = arith.constant 0 : index
    %swap3A_104 = vector.load %arg12[%swap3A, %swap3A_103] : memref<1024x80xf32, #tpu.memory_space<vmem>>, vector<1024x80xf32>
    tpu.vector_store %arg12[%swap3A, %swap3A_103], %concatenate3A_102 {strides = array<i32>} : memref<1024x80xf32, #tpu.memory_space<vmem>>, vector<1024x80xf32>,
    %broadcast_in_dim3A_105 = vector.shape_cast %dot_general3A_99 : vector<1024x1xf32> to vector<1024x1xf32>
    %broadcast_in_dim3A_106 = vector.broadcast %broadcast_in_dim3A_105 : vector<1024x1xf32> to vector<1024x16xf32>
    %swap3A_107 = arith.constant 0 : index
    %swap3A_108 = arith.constant 0 : index
    %swap3A_109 = vector.load %arg13[%swap3A_107, %swap3A_108] : memref<1024x16xf32, #tpu.memory_space<vmem>>, vector<1024x16xf32>
    tpu.vector_store %arg13[%swap3A_107, %swap3A_108], %broadcast_in_dim3A_106 {strides = array<i32>} : memref<1024x16xf32, #tpu.memory_space<vmem>>, vector<1024x16xf32>,
    %slice3A_110 = vector.extract_strided_slice %get3A_1 {offsets = [0, 144], sizes = [1024, 32], strides = [1, 1]} : vector<1024x176xf32> to vector<1024x32xf32>
    %slice3A_111 = vector.extract_strided_slice %get3A_4 {offsets = [0, 144], sizes = [1024, 32], strides = [1, 1]} : vector<1024x176xf32> to vector<1024x32xf32>
    %concatenate3A_112 = tpu.concatenate %slice3A_110, %slice3A_111 in 1 : vector<1024x32xf32>, vector<1024x32xf32> -> vector<1024x64xf32>
    %slice3A_113 = vector.extract_strided_slice %get3A_7 {offsets = [0, 144], sizes = [1024, 32], strides = [1, 1]} : vector<1024x176xf32> to vector<1024x32xf32>
    %slice3A_114 = vector.extract_strided_slice %get3A_10 {offsets = [0, 144], sizes = [1024, 32], strides = [1, 1]} : vector<1024x176xf32> to vector<1024x32xf32>
    %concatenate3A_115 = tpu.concatenate %slice3A_113, %slice3A_114 in 1 : vector<1024x32xf32>, vector<1024x32xf32> -> vector<1024x64xf32>
    %get3A_116 = arith.constant 0 : index
    %get3A_117 = vector.load %arg6[%get3A_116] : memref<1024xf32, #tpu.memory_space<vmem>>, vector<1024xf32>
    %broadcast_in_dim3A_118 = vector.shape_cast %get3A_117 : vector<1024xf32> to vector<1024x1xf32>
    %add3A_119 = arith.addf %concatenate3A_112, %concatenate3A_115 : vector<1024x64xf32>
    %mul3A_120 = vector.broadcast %broadcast_in_dim3A_118 : vector<1024x1xf32> to vector<1024x64xf32>
    %mul3A_121 = arith.mulf %mul3A_120, %add3A_119 : vector<1024x64xf32>
    %get3A_122 = arith.constant 0 : index
    %get3A_123 = vector.load %arg11[%get3A_122] : memref<64xf32, #tpu.memory_space<vmem>>, vector<64xf32>
    %broadcast_in_dim3A_124 = vector.shape_cast %get3A_123 : vector<64xf32> to vector<1x64xf32>
    %add3A_125 = vector.broadcast %broadcast_in_dim3A_124 : vector<1x64xf32> to vector<1024x64xf32>
    %add3A_126 = arith.addf %mul3A_121, %add3A_125 : vector<1024x64xf32>
    %max3A = arith.constant 0.000000e+00 : f32
    %max3A_127 = vector.broadcast %max3A : f32 to vector<1024x64xf32>
    %max3A_128 = arith.maximumf %add3A_126, %max3A_127 : vector<1024x64xf32>
    %swap3A_129 = arith.constant 0 : index
    %swap3A_130 = arith.constant 0 : index
    %swap3A_131 = vector.load %arg14[%swap3A_129, %swap3A_130] : memref<1024x64xf32, #tpu.memory_space<vmem>>, vector<1024x64xf32>
    tpu.vector_store %arg14[%swap3A_129, %swap3A_130], %max3A_128 {strides = array<i32>} : memref<1024x64xf32, #tpu.memory_space<vmem>>, vector<1024x64xf32>,
    %squeeze3A = vector.shape_cast %dot_general3A_94 : vector<1024x1xf32> to vector<1024xf32>
    %squeeze3A_132 = vector.shape_cast %dot_general3A_99 : vector<1024x1xf32> to vector<1024xf32>
    %add3A_133 = arith.addf %squeeze3A, %squeeze3A_132 : vector<1024xf32>
    %gt3A_134 = arith.constant 0.000000e+00 : f32
    %gt3A_135 = vector.broadcast %gt3A_134 : f32 to vector<1024xf32>
    %gt3A_136 = arith.cmpf ogt, %add3A_133, %gt3A_135 : vector<1024xf32>
    %mul3A_137 = arith.constant 2.000000e-01 : f32
    %mul3A_138 = vector.broadcast %mul3A_137 : f32 to vector<1024xf32>
    %mul3A_139 = arith.mulf %mul3A_138, %add3A_133 : vector<1024xf32>
    %select_n3A_140 = arith.select %gt3A_136, %add3A_133, %mul3A_139 : vector<1024xi1>, vector<1024xf32>
    %exp3A_141 = math.exp %select_n3A_140 : vector<1024xf32>
    %swap3A_142 = arith.constant 0 : index
    %swap3A_143 = vector.load %arg15[%swap3A_142] : memref<1024xf32, #tpu.memory_space<vmem>>, vector<1024xf32>
    tpu.vector_store %arg15[%swap3A_142], %exp3A_141 {strides = array<i32>} : memref<1024xf32, #tpu.memory_space<vmem>>, vector<1024xf32>,
    return
  }
  func.func @transform_0(%arg0: i32) -> (i32, i32) {
    %c0_i32 = arith.constant 0 : i32
    %c0_i32_0 = arith.constant 0 : i32
    return %arg0, %c0_i32 : i32, i32
  }
  func.func @transform_1(%arg0: i32) -> (i32, i32) {
    %c0_i32 = arith.constant 0 : i32
    %c0_i32_0 = arith.constant 0 : i32
    return %arg0, %c0_i32 : i32, i32
  }
  func.func @transform_2(%arg0: i32) -> (i32, i32) {
    %c0_i32 = arith.constant 0 : i32
    %c0_i32_0 = arith.constant 0 : i32
    return %arg0, %c0_i32 : i32, i32
  }
  func.func @transform_3(%arg0: i32) -> (i32, i32) {
    %c0_i32 = arith.constant 0 : i32
    %c0_i32_0 = arith.constant 0 : i32
    return %arg0, %c0_i32 : i32, i32
  }
  func.func @transform_4(%arg0: i32) -> (i32, i32) {
    %c0_i32 = arith.constant 0 : i32
    %c0_i32_0 = arith.constant 0 : i32
    return %arg0, %c0_i32 : i32, i32
  }
  func.func @transform_5(%arg0: i32) -> i32 {
    %c0_i32 = arith.constant 0 : i32
    return %arg0 : i32
  }
  func.func @transform_6(%arg0: i32) -> i32 {
    %c0_i32 = arith.constant 0 : i32
    %c0_i32_0 = arith.constant 0 : i32
    return %c0_i32 : i32
  }
  func.func @transform_7(%arg0: i32) -> (i32, i32) {
    %c0_i32 = arith.constant 0 : i32
    %c0_i32_0 = arith.constant 0 : i32
    %c0_i32_1 = arith.constant 0 : i32
    return %c0_i32, %c0_i32_0 : i32, i32
  }
  func.func @transform_8(%arg0: i32) -> (i32, i32) {
    %c0_i32 = arith.constant 0 : i32
    %c0_i32_0 = arith.constant 0 : i32
    %c0_i32_1 = arith.constant 0 : i32
    return %c0_i32, %c0_i32_0 : i32, i32
  }
  func.func @transform_9(%arg0: i32) -> (i32, i32) {
    %c0_i32 = arith.constant 0 : i32
    %c0_i32_0 = arith.constant 0 : i32
    %c0_i32_1 = arith.constant 0 : i32
    return %c0_i32, %c0_i32_0 : i32, i32
  }
  func.func @transform_10(%arg0: i32) -> i32 {
    %c0_i32 = arith.constant 0 : i32
    %c0_i32_0 = arith.constant 0 : i32
    return %c0_i32 : i32
  }
  func.func @transform_11(%arg0: i32) -> (i32, i32) {
    %c0_i32 = arith.constant 0 : i32
    %c0_i32_0 = arith.constant 0 : i32
    return %arg0, %c0_i32 : i32, i32
  }
  func.func @transform_12(%arg0: i32) -> (i32, i32) {
    %c0_i32 = arith.constant 0 : i32
    %c0_i32_0 = arith.constant 0 : i32
    return %arg0, %c0_i32 : i32, i32
  }
  func.func @transform_13(%arg0: i32) -> (i32, i32) {
    %c0_i32 = arith.constant 0 : i32
    %c0_i32_0 = arith.constant 0 : i32
    return %arg0, %c0_i32 : i32, i32
  }
  func.func @transform_14(%arg0: i32) -> i32 {
    %c0_i32 = arith.constant 0 : i32
    return %arg0 : i32
  }
}

module attributes {stable_mosaic.version = 14 : i64} {
  func.func @_fin_kernel(%arg0: i32, %arg1: memref<1024x80xf32, #tpu.memory_space<vmem>>, %arg2: memref<1024x80xf32, #tpu.memory_space<vmem>>, %arg3: memref<1024x80xf32, #tpu.memory_space<vmem>>, %arg4: memref<1024xf32, #tpu.memory_space<vmem>>, %arg5: memref<64xf32, #tpu.memory_space<vmem>>, %arg6: memref<1024x64xf32, #tpu.memory_space<vmem>>, %arg7: memref<128x64xf32, #tpu.memory_space<vmem>>, %arg8: memref<64xf32, #tpu.memory_space<vmem>>, %arg9: memref<1024xi32, #tpu.memory_space<vmem>>, %arg10: memref<64x32xf32, #tpu.memory_space<vmem>>, %arg11: memref<32xf32, #tpu.memory_space<vmem>>, %arg12: memref<32x5xf32, #tpu.memory_space<vmem>>, %arg13: memref<5xf32, #tpu.memory_space<vmem>>, %arg14: memref<64x32xf32, #tpu.memory_space<vmem>>, %arg15: memref<32xf32, #tpu.memory_space<vmem>>, %arg16: memref<32x5xf32, #tpu.memory_space<vmem>>, %arg17: memref<5xf32, #tpu.memory_space<vmem>>, %arg18: memref<64x5xf32, #tpu.memory_space<vmem>>, %arg19: memref<64x5xf32, #tpu.memory_space<vmem>>, %arg20: memref<64x64xf32, #tpu.memory_space<vmem>>, %arg21: memref<64xf32, #tpu.memory_space<vmem>>) attributes {dimension_semantics = [#tpu.dimension_semantics<arbitrary>], iteration_bounds = array<i64: 10>, scalar_prefetch = 0 : i64, scratch_operands = 2 : i64, tpu.core_type = #tpu.core_type<tc>, window_params = [{transform_indices = @transform_0, window_bounds = array<i64: 1024, 80>}, {transform_indices = @transform_1, window_bounds = array<i64: 1024, 80>}, {transform_indices = @transform_2, window_bounds = array<i64: 1024, 80>}, {transform_indices = @transform_3, window_bounds = array<i64: 1024>}, {pipeline_mode = #tpu.pipeline_mode<synchronous>, transform_indices = @transform_4, window_bounds = array<i64: 64>}, {transform_indices = @transform_5, window_bounds = array<i64: 1024, 64>}, {pipeline_mode = #tpu.pipeline_mode<synchronous>, transform_indices = @transform_6, window_bounds = array<i64: 128, 64>}, {pipeline_mode = #tpu.pipeline_mode<synchronous>, transform_indices = @transform_7, window_bounds = array<i64: 64>}, {transform_indices = @transform_8, window_bounds = array<i64: 1024>}, {pipeline_mode = #tpu.pipeline_mode<synchronous>, transform_indices = @transform_9, window_bounds = array<i64: 64, 32>}, {pipeline_mode = #tpu.pipeline_mode<synchronous>, transform_indices = @transform_10, window_bounds = array<i64: 32>}, {pipeline_mode = #tpu.pipeline_mode<synchronous>, transform_indices = @transform_11, window_bounds = array<i64: 32, 5>}, {pipeline_mode = #tpu.pipeline_mode<synchronous>, transform_indices = @transform_12, window_bounds = array<i64: 5>}, {pipeline_mode = #tpu.pipeline_mode<synchronous>, transform_indices = @transform_13, window_bounds = array<i64: 64, 32>}, {pipeline_mode = #tpu.pipeline_mode<synchronous>, transform_indices = @transform_14, window_bounds = array<i64: 32>}, {pipeline_mode = #tpu.pipeline_mode<synchronous>, transform_indices = @transform_15, window_bounds = array<i64: 32, 5>}, {pipeline_mode = #tpu.pipeline_mode<synchronous>, transform_indices = @transform_16, window_bounds = array<i64: 5>}, {pipeline_mode = #tpu.pipeline_mode<synchronous>, transform_indices = @transform_17, window_bounds = array<i64: 64, 5>}, {pipeline_mode = #tpu.pipeline_mode<synchronous>, transform_indices = @transform_18, window_bounds = array<i64: 64, 5>}]} {
    %eq3A = arith.constant 0 : i32
    %eq3A_0 = arith.cmpi eq, %arg0, %eq3A : i32
    %convert_element_type3A = arith.extui %eq3A_0 : i1 to i32
    %cond3A = arith.constant 0 : i32
    %cond3A_1 = arith.cmpi ne, %convert_element_type3A, %cond3A : i32
    scf.if %cond3A_1 {
      %broadcast_in_dim3A_98 = arith.constant 0.000000e+00 : f32
      %broadcast_in_dim3A_99 = vector.broadcast %broadcast_in_dim3A_98 : f32 to vector<64x64xf32>
      %swap3A_100 = arith.constant 0 : index
      %swap3A_101 = arith.constant 0 : index
      %swap3A_102 = vector.load %arg20[%swap3A_100, %swap3A_101] : memref<64x64xf32, #tpu.memory_space<vmem>>, vector<64x64xf32>
      tpu.vector_store %arg20[%swap3A_100, %swap3A_101], %broadcast_in_dim3A_99 {strides = array<i32>} : memref<64x64xf32, #tpu.memory_space<vmem>>, vector<64x64xf32>,
      %broadcast_in_dim3A_103 = arith.constant 0.000000e+00 : f32
      %broadcast_in_dim3A_104 = vector.broadcast %broadcast_in_dim3A_103 : f32 to vector<64xf32>
      %swap3A_105 = arith.constant 0 : index
      %swap3A_106 = vector.load %arg21[%swap3A_105] : memref<64xf32, #tpu.memory_space<vmem>>, vector<64xf32>
      tpu.vector_store %arg21[%swap3A_105], %broadcast_in_dim3A_104 {strides = array<i32>} : memref<64xf32, #tpu.memory_space<vmem>>, vector<64xf32>,
    } else {
    }
    %get3A = arith.constant 0 : index
    %get3A_2 = arith.constant 0 : index
    %get3A_3 = vector.load %arg3[%get3A, %get3A_2] : memref<1024x80xf32, #tpu.memory_space<vmem>>, vector<1024x80xf32>
    %slice3A = vector.extract_strided_slice %get3A_3 {offsets = [0, 0], sizes = [1024, 64], strides = [1, 1]} : vector<1024x80xf32> to vector<1024x64xf32>
    %get3A_4 = arith.constant 0 : index
    %get3A_5 = vector.load %arg4[%get3A_4] : memref<1024xf32, #tpu.memory_space<vmem>>, vector<1024xf32>
    %get3A_6 = arith.constant 0 : index
    %get3A_7 = arith.constant 0 : index
    %get3A_8 = vector.load %arg1[%get3A_6, %get3A_7] : memref<1024x80xf32, #tpu.memory_space<vmem>>, vector<1024x80xf32>
    %slice3A_9 = vector.extract_strided_slice %get3A_8 {offsets = [0, 0], sizes = [1024, 64], strides = [1, 1]} : vector<1024x80xf32> to vector<1024x64xf32>
    %get3A_10 = arith.constant 0 : index
    %get3A_11 = arith.constant 0 : index
    %get3A_12 = vector.load %arg2[%get3A_10, %get3A_11] : memref<1024x80xf32, #tpu.memory_space<vmem>>, vector<1024x80xf32>
    %slice3A_13 = vector.extract_strided_slice %get3A_12 {offsets = [0, 0], sizes = [1024, 64], strides = [1, 1]} : vector<1024x80xf32> to vector<1024x64xf32>
    %add3A = arith.addf %slice3A_9, %slice3A_13 : vector<1024x64xf32>
    %broadcast_in_dim3A = vector.shape_cast %get3A_5 : vector<1024xf32> to vector<1024x1xf32>
    %mul3A = vector.broadcast %broadcast_in_dim3A : vector<1024x1xf32> to vector<1024x64xf32>
    %mul3A_14 = arith.mulf %mul3A, %slice3A : vector<1024x64xf32>
    %add3A_15 = arith.addf %add3A, %mul3A_14 : vector<1024x64xf32>
    %get3A_16 = arith.constant 0 : index
    %get3A_17 = arith.constant 0 : index
    %get3A_18 = vector.load %arg1[%get3A_16, %get3A_17] : memref<1024x80xf32, #tpu.memory_space<vmem>>, vector<1024x80xf32>
    %slice3A_19 = vector.extract_strided_slice %get3A_18 {offsets = [0, 64], sizes = [1024, 1], strides = [1, 1]} : vector<1024x80xf32> to vector<1024x1xf32>
    %squeeze3A = vector.shape_cast %slice3A_19 : vector<1024x1xf32> to vector<1024xf32>
    %get3A_20 = arith.constant 0 : index
    %get3A_21 = arith.constant 0 : index
    %get3A_22 = vector.load %arg2[%get3A_20, %get3A_21] : memref<1024x80xf32, #tpu.memory_space<vmem>>, vector<1024x80xf32>
    %slice3A_23 = vector.extract_strided_slice %get3A_22 {offsets = [0, 64], sizes = [1024, 1], strides = [1, 1]} : vector<1024x80xf32> to vector<1024x1xf32>
    %squeeze3A_24 = vector.shape_cast %slice3A_23 : vector<1024x1xf32> to vector<1024xf32>
    %add3A_25 = arith.addf %squeeze3A, %squeeze3A_24 : vector<1024xf32>
    %add3A_26 = arith.addf %add3A_25, %get3A_5 : vector<1024xf32>
    %add3A_27 = arith.constant 1.000000e-16 : f32
    %add3A_28 = vector.broadcast %add3A_27 : f32 to vector<1024xf32>
    %add3A_29 = arith.addf %add3A_26, %add3A_28 : vector<1024xf32>
    %broadcast_in_dim3A_30 = vector.shape_cast %add3A_29 : vector<1024xf32> to vector<1024x1xf32>
    %div3A = vector.broadcast %broadcast_in_dim3A_30 : vector<1024x1xf32> to vector<1024x64xf32>
    %div3A_31 = arith.divf %add3A_15, %div3A : vector<1024x64xf32>
    %get3A_32 = arith.constant 0 : index
    %get3A_33 = vector.load %arg5[%get3A_32] : memref<64xf32, #tpu.memory_space<vmem>>, vector<64xf32>
    %broadcast_in_dim3A_34 = vector.shape_cast %get3A_33 : vector<64xf32> to vector<1x64xf32>
    %add3A_35 = vector.broadcast %broadcast_in_dim3A_34 : vector<1x64xf32> to vector<1024x64xf32>
    %add3A_36 = arith.addf %div3A_31, %add3A_35 : vector<1024x64xf32>
    %gt3A = arith.constant 0.000000e+00 : f32
    %gt3A_37 = vector.broadcast %gt3A : f32 to vector<1024x64xf32>
    %gt3A_38 = arith.cmpf ogt, %add3A_36, %gt3A_37 : vector<1024x64xf32>
    %exp3A = math.exp %add3A_36 : vector<1024x64xf32>
    %sub3A = arith.constant 1.000000e+00 : f32
    %sub3A_39 = vector.broadcast %sub3A : f32 to vector<1024x64xf32>
    %sub3A_40 = arith.subf %exp3A, %sub3A_39 : vector<1024x64xf32>
    %select_n3A = arith.select %gt3A_38, %add3A_36, %sub3A_40 : vector<1024x64xi1>, vector<1024x64xf32>
    %get3A_41 = arith.constant 0 : index
    %get3A_42 = arith.constant 0 : index
    %get3A_43 = vector.load %arg7[%get3A_41, %get3A_42] : memref<128x64xf32, #tpu.memory_space<vmem>>, vector<128x64xf32>
    %slice3A_44 = vector.extract_strided_slice %get3A_43 {offsets = [0, 0], sizes = [64, 64], strides = [1, 1]} : vector<128x64xf32> to vector<64x64xf32>
    %dot_general3A = arith.constant dense<0.000000e+00> : vector<1024x64xf32>
    %dot_general3A_45 = tpu.matmul %select_n3A, %slice3A_44, %dot_general3A {dimension_numbers = #tpu.dot_dimension_numbers<[1], [0], [0], [1], [0, 0, 1, 1], [], []>, transpose_lhs_hint = false} : vector<1024x64xf32>, vector<64x64xf32>, vector<1024x64xf32> -> vector<1024x64xf32>
    %get3A_46 = arith.constant 0 : index
    %get3A_47 = arith.constant 0 : index
    %get3A_48 = vector.load %arg6[%get3A_46, %get3A_47] : memref<1024x64xf32, #tpu.memory_space<vmem>>, vector<1024x64xf32>
    %slice3A_49 = vector.extract_strided_slice %get3A_43 {offsets = [64, 0], sizes = [64, 64], strides = [1, 1]} : vector<128x64xf32> to vector<64x64xf32>
    %dot_general3A_50 = arith.constant dense<0.000000e+00> : vector<1024x64xf32>
    %dot_general3A_51 = tpu.matmul %get3A_48, %slice3A_49, %dot_general3A_50 {dimension_numbers = #tpu.dot_dimension_numbers<[1], [0], [0], [1], [0, 0, 1, 1], [], []>, transpose_lhs_hint = false} : vector<1024x64xf32>, vector<64x64xf32>, vector<1024x64xf32> -> vector<1024x64xf32>
    %add3A_52 = arith.addf %dot_general3A_45, %dot_general3A_51 : vector<1024x64xf32>
    %get3A_53 = arith.constant 0 : index
    %get3A_54 = vector.load %arg8[%get3A_53] : memref<64xf32, #tpu.memory_space<vmem>>, vector<64xf32>
    %broadcast_in_dim3A_55 = vector.shape_cast %get3A_54 : vector<64xf32> to vector<1x64xf32>
    %add3A_56 = vector.broadcast %broadcast_in_dim3A_55 : vector<1x64xf32> to vector<1024x64xf32>
    %add3A_57 = arith.addf %add3A_52, %add3A_56 : vector<1024x64xf32>
    %max3A = arith.constant 0.000000e+00 : f32
    %max3A_58 = vector.broadcast %max3A : f32 to vector<1024x64xf32>
    %max3A_59 = arith.maximumf %add3A_57, %max3A_58 : vector<1024x64xf32>
    %mul3A_60 = arith.constant 1024 : i32
    %mul3A_61 = arith.muli %arg0, %mul3A_60 : i32
    %iota3A = tpu.iota {dimensions = array<i32: 0>} : vector<1024x1xi32>
    %squeeze3A_62 = vector.shape_cast %iota3A : vector<1024x1xi32> to vector<1024xi32>
    %add3A_63 = vector.broadcast %mul3A_61 : i32 to vector<1024xi32>
    %add3A_64 = arith.addi %add3A_63, %squeeze3A_62 : vector<1024xi32>
    %lt3A = arith.constant 10000 : i32
    %lt3A_65 = vector.broadcast %lt3A : i32 to vector<1024xi32>
    %lt3A_66 = arith.cmpi slt, %add3A_64, %lt3A_65 : vector<1024xi32>
    %get3A_67 = arith.constant 0 : index
    %get3A_68 = vector.load %arg9[%get3A_67] : memref<1024xi32, #tpu.memory_space<vmem>>, vector<1024xi32>
    %iota3A_69 = tpu.iota {dimensions = array<i32: 1>} : vector<1024x64xi32>
    %broadcast_in_dim3A_70 = vector.shape_cast %get3A_68 : vector<1024xi32> to vector<1024x1xi32>
    %eq3A_71 = vector.broadcast %broadcast_in_dim3A_70 : vector<1024x1xi32> to vector<1024x64xi32>
    %eq3A_72 = arith.cmpi eq, %eq3A_71, %iota3A_69 : vector<1024x64xi32>
    %broadcast_in_dim3A_73 = vector.shape_cast %lt3A_66 : vector<1024xi1> to vector<1024x1xi1>
    %and3A = vector.broadcast %broadcast_in_dim3A_73 : vector<1024x1xi1> to vector<1024x64xi1>
    %and3A_74 = arith.andi %eq3A_72, %and3A : vector<1024x64xi1>
    %jit3A = arith.constant 1.000000e+00 : f32
    %jit3A_75 = arith.constant 0.000000e+00 : f32
    %broadcast_in_dim3A_76 = vector.broadcast %jit3A : f32 to vector<1024x64xf32>
    %broadcast_in_dim3A_77 = vector.broadcast %jit3A_75 : f32 to vector<1024x64xf32>
    %select_n3A_78 = arith.select %and3A_74, %broadcast_in_dim3A_76, %broadcast_in_dim3A_77 : vector<1024x64xi1>, vector<1024x64xf32>
    %get3A_79 = arith.constant 0 : index
    %get3A_80 = arith.constant 0 : index
    %get3A_81 = vector.load %arg20[%get3A_79, %get3A_80] : memref<64x64xf32, #tpu.memory_space<vmem>>, vector<64x64xf32>
    %dot_general3A_82 = arith.constant dense<0.000000e+00> : vector<64x64xf32>
    %dot_general3A_83 = tpu.matmul %select_n3A_78, %max3A_59, %dot_general3A_82 {dimension_numbers = #tpu.dot_dimension_numbers<[0], [0], [1], [1], [0, 1, 1, 1], [], []>, transpose_lhs_hint = false} : vector<1024x64xf32>, vector<1024x64xf32>, vector<64x64xf32> -> vector<64x64xf32>
    %add3A_84 = arith.addf %get3A_81, %dot_general3A_83 : vector<64x64xf32>
    %swap3A = arith.constant 0 : index
    %swap3A_85 = arith.constant 0 : index
    %swap3A_86 = vector.load %arg20[%swap3A, %swap3A_85] : memref<64x64xf32, #tpu.memory_space<vmem>>, vector<64x64xf32>
    tpu.vector_store %arg20[%swap3A, %swap3A_85], %add3A_84 {strides = array<i32>} : memref<64x64xf32, #tpu.memory_space<vmem>>, vector<64x64xf32>,
    %get3A_87 = arith.constant 0 : index
    %get3A_88 = vector.load %arg21[%get3A_87] : memref<64xf32, #tpu.memory_space<vmem>>, vector<64xf32>
    %reduce_sum3A = arith.constant dense<0.000000e+00> : vector<64xf32>
    %reduce_sum3A_89 = vector.multi_reduction <add>, %select_n3A_78, %reduce_sum3A [0] : vector<1024x64xf32> to vector<64xf32>
    %add3A_90 = arith.addf %get3A_88, %reduce_sum3A_89 : vector<64xf32>
    %swap3A_91 = arith.constant 0 : index
    %swap3A_92 = vector.load %arg21[%swap3A_91] : memref<64xf32, #tpu.memory_space<vmem>>, vector<64xf32>
    tpu.vector_store %arg21[%swap3A_91], %add3A_90 {strides = array<i32>} : memref<64xf32, #tpu.memory_space<vmem>>, vector<64xf32>,
    %eq3A_93 = arith.constant 9 : i32
    %eq3A_94 = arith.cmpi eq, %arg0, %eq3A_93 : i32
    %convert_element_type3A_95 = arith.extui %eq3A_94 : i1 to i32
    %cond3A_96 = arith.constant 0 : i32
    %cond3A_97 = arith.cmpi ne, %convert_element_type3A_95, %cond3A_96 : i32
    scf.if %cond3A_97 {
      %get3A_98 = arith.constant 0 : index
      %get3A_99 = arith.constant 0 : index
      %get3A_100 = vector.load %arg20[%get3A_98, %get3A_99] : memref<64x64xf32, #tpu.memory_space<vmem>>, vector<64x64xf32>
      %get3A_101 = arith.constant 0 : index
      %get3A_102 = vector.load %arg21[%get3A_101] : memref<64xf32, #tpu.memory_space<vmem>>, vector<64xf32>
      %max3A_103 = arith.constant 1.000000e+00 : f32
      %max3A_104 = vector.broadcast %max3A_103 : f32 to vector<64xf32>
      %max3A_105 = arith.maximumf %get3A_102, %max3A_104 : vector<64xf32>
      %broadcast_in_dim3A_106 = vector.shape_cast %max3A_105 : vector<64xf32> to vector<64x1xf32>
      %div3A_107 = vector.broadcast %broadcast_in_dim3A_106 : vector<64x1xf32> to vector<64x64xf32>
      %div3A_108 = arith.divf %get3A_100, %div3A_107 : vector<64x64xf32>
      %get3A_109 = arith.constant 0 : index
      %get3A_110 = arith.constant 0 : index
      %get3A_111 = vector.load %arg10[%get3A_109, %get3A_110] : memref<64x32xf32, #tpu.memory_space<vmem>>, vector<64x32xf32>
      %dot_general3A_112 = arith.constant dense<0.000000e+00> : vector<64x32xf32>
      %dot_general3A_113 = tpu.matmul %div3A_108, %get3A_111, %dot_general3A_112 {dimension_numbers = #tpu.dot_dimension_numbers<[1], [0], [0], [1], [0, 0, 1, 1], [], []>, transpose_lhs_hint = false} : vector<64x64xf32>, vector<64x32xf32>, vector<64x32xf32> -> vector<64x32xf32>
      %get3A_114 = arith.constant 0 : index
      %get3A_115 = vector.load %arg11[%get3A_114] : memref<32xf32, #tpu.memory_space<vmem>>, vector<32xf32>
      %broadcast_in_dim3A_116 = vector.shape_cast %get3A_115 : vector<32xf32> to vector<1x32xf32>
      %add3A_117 = vector.broadcast %broadcast_in_dim3A_116 : vector<1x32xf32> to vector<64x32xf32>
      %add3A_118 = arith.addf %dot_general3A_113, %add3A_117 : vector<64x32xf32>
      %max3A_119 = arith.constant 0.000000e+00 : f32
      %max3A_120 = vector.broadcast %max3A_119 : f32 to vector<64x32xf32>
      %max3A_121 = arith.maximumf %add3A_118, %max3A_120 : vector<64x32xf32>
      %get3A_122 = arith.constant 0 : index
      %get3A_123 = arith.constant 0 : index
      %get3A_124 = vector.load %arg12[%get3A_122, %get3A_123] : memref<32x5xf32, #tpu.memory_space<vmem>>, vector<32x5xf32>
      %dot_general3A_125 = arith.constant dense<0.000000e+00> : vector<64x5xf32>
      %dot_general3A_126 = tpu.matmul %max3A_121, %get3A_124, %dot_general3A_125 {dimension_numbers = #tpu.dot_dimension_numbers<[1], [0], [0], [1], [0, 0, 1, 1], [], []>, transpose_lhs_hint = false} : vector<64x32xf32>, vector<32x5xf32>, vector<64x5xf32> -> vector<64x5xf32>
      %get3A_127 = arith.constant 0 : index
      %get3A_128 = vector.load %arg13[%get3A_127] : memref<5xf32, #tpu.memory_space<vmem>>, vector<5xf32>
      %broadcast_in_dim3A_129 = vector.shape_cast %get3A_128 : vector<5xf32> to vector<1x5xf32>
      %add3A_130 = vector.broadcast %broadcast_in_dim3A_129 : vector<1x5xf32> to vector<64x5xf32>
      %add3A_131 = arith.addf %dot_general3A_126, %add3A_130 : vector<64x5xf32>
      %swap3A_132 = arith.constant 0 : index
      %swap3A_133 = arith.constant 0 : index
      %swap3A_134 = vector.load %arg18[%swap3A_132, %swap3A_133] : memref<64x5xf32, #tpu.memory_space<vmem>>, vector<64x5xf32>
      tpu.vector_store %arg18[%swap3A_132, %swap3A_133], %add3A_131 {strides = array<i32>} : memref<64x5xf32, #tpu.memory_space<vmem>>, vector<64x5xf32>,
      %get3A_135 = arith.constant 0 : index
      %get3A_136 = arith.constant 0 : index
      %get3A_137 = vector.load %arg14[%get3A_135, %get3A_136] : memref<64x32xf32, #tpu.memory_space<vmem>>, vector<64x32xf32>
      %dot_general3A_138 = arith.constant dense<0.000000e+00> : vector<64x32xf32>
      %dot_general3A_139 = tpu.matmul %div3A_108, %get3A_137, %dot_general3A_138 {dimension_numbers = #tpu.dot_dimension_numbers<[1], [0], [0], [1], [0, 0, 1, 1], [], []>, transpose_lhs_hint = false} : vector<64x64xf32>, vector<64x32xf32>, vector<64x32xf32> -> vector<64x32xf32>
      %get3A_140 = arith.constant 0 : index
      %get3A_141 = vector.load %arg15[%get3A_140] : memref<32xf32, #tpu.memory_space<vmem>>, vector<32xf32>
      %broadcast_in_dim3A_142 = vector.shape_cast %get3A_141 : vector<32xf32> to vector<1x32xf32>
      %add3A_143 = vector.broadcast %broadcast_in_dim3A_142 : vector<1x32xf32> to vector<64x32xf32>
      %add3A_144 = arith.addf %dot_general3A_139, %add3A_143 : vector<64x32xf32>
      %max3A_145 = arith.constant 0.000000e+00 : f32
      %max3A_146 = vector.broadcast %max3A_145 : f32 to vector<64x32xf32>
      %max3A_147 = arith.maximumf %add3A_144, %max3A_146 : vector<64x32xf32>
      %get3A_148 = arith.constant 0 : index
      %get3A_149 = arith.constant 0 : index
      %get3A_150 = vector.load %arg16[%get3A_148, %get3A_149] : memref<32x5xf32, #tpu.memory_space<vmem>>, vector<32x5xf32>
      %dot_general3A_151 = arith.constant dense<0.000000e+00> : vector<64x5xf32>
      %dot_general3A_152 = tpu.matmul %max3A_147, %get3A_150, %dot_general3A_151 {dimension_numbers = #tpu.dot_dimension_numbers<[1], [0], [0], [1], [0, 0, 1, 1], [], []>, transpose_lhs_hint = false} : vector<64x32xf32>, vector<32x5xf32>, vector<64x5xf32> -> vector<64x5xf32>
      %get3A_153 = arith.constant 0 : index
      %get3A_154 = vector.load %arg17[%get3A_153] : memref<5xf32, #tpu.memory_space<vmem>>, vector<5xf32>
      %broadcast_in_dim3A_155 = vector.shape_cast %get3A_154 : vector<5xf32> to vector<1x5xf32>
      %add3A_156 = vector.broadcast %broadcast_in_dim3A_155 : vector<1x5xf32> to vector<64x5xf32>
      %add3A_157 = arith.addf %dot_general3A_152, %add3A_156 : vector<64x5xf32>
      %swap3A_158 = arith.constant 0 : index
      %swap3A_159 = arith.constant 0 : index
      %swap3A_160 = vector.load %arg19[%swap3A_158, %swap3A_159] : memref<64x5xf32, #tpu.memory_space<vmem>>, vector<64x5xf32>
      tpu.vector_store %arg19[%swap3A_158, %swap3A_159], %add3A_157 {strides = array<i32>} : memref<64x5xf32, #tpu.memory_space<vmem>>, vector<64x5xf32>,
    } else {
    }
    return
  }
  func.func @transform_0(%arg0: i32) -> (i32, i32) {
    %c0_i32 = arith.constant 0 : i32
    %c0_i32_0 = arith.constant 0 : i32
    return %arg0, %c0_i32 : i32, i32
  }
  func.func @transform_1(%arg0: i32) -> (i32, i32) {
    %add3A = arith.constant 10 : i32
    %add3A_0 = arith.addi %arg0, %add3A : i32
    %c0_i32 = arith.constant 0 : i32
    %c0_i32_1 = arith.constant 0 : i32
    return %add3A_0, %c0_i32 : i32, i32
  }
  func.func @transform_2(%arg0: i32) -> (i32, i32) {
    %c0_i32 = arith.constant 0 : i32
    %c0_i32_0 = arith.constant 0 : i32
    return %arg0, %c0_i32 : i32, i32
  }
  func.func @transform_3(%arg0: i32) -> i32 {
    %c0_i32 = arith.constant 0 : i32
    return %arg0 : i32
  }
  func.func @transform_4(%arg0: i32) -> i32 {
    %c0_i32 = arith.constant 0 : i32
    %c0_i32_0 = arith.constant 0 : i32
    return %c0_i32 : i32
  }
  func.func @transform_5(%arg0: i32) -> (i32, i32) {
    %c0_i32 = arith.constant 0 : i32
    %c0_i32_0 = arith.constant 0 : i32
    return %arg0, %c0_i32 : i32, i32
  }
  func.func @transform_6(%arg0: i32) -> (i32, i32) {
    %c0_i32 = arith.constant 0 : i32
    %c0_i32_0 = arith.constant 0 : i32
    %c0_i32_1 = arith.constant 0 : i32
    return %c0_i32, %c0_i32_0 : i32, i32
  }
  func.func @transform_7(%arg0: i32) -> i32 {
    %c0_i32 = arith.constant 0 : i32
    %c0_i32_0 = arith.constant 0 : i32
    return %c0_i32 : i32
  }
  func.func @transform_8(%arg0: i32) -> i32 {
    %c0_i32 = arith.constant 0 : i32
    return %arg0 : i32
  }
  func.func @transform_9(%arg0: i32) -> (i32, i32) {
    %c0_i32 = arith.constant 0 : i32
    %c0_i32_0 = arith.constant 0 : i32
    %c0_i32_1 = arith.constant 0 : i32
    return %c0_i32, %c0_i32_0 : i32, i32
  }
  func.func @transform_10(%arg0: i32) -> i32 {
    %c0_i32 = arith.constant 0 : i32
    %c0_i32_0 = arith.constant 0 : i32
    return %c0_i32 : i32
  }
  func.func @transform_11(%arg0: i32) -> (i32, i32) {
    %c0_i32 = arith.constant 0 : i32
    %c0_i32_0 = arith.constant 0 : i32
    %c0_i32_1 = arith.constant 0 : i32
    return %c0_i32, %c0_i32_0 : i32, i32
  }
  func.func @transform_12(%arg0: i32) -> i32 {
    %c0_i32 = arith.constant 0 : i32
    %c0_i32_0 = arith.constant 0 : i32
    return %c0_i32 : i32
  }
  func.func @transform_13(%arg0: i32) -> (i32, i32) {
    %c0_i32 = arith.constant 0 : i32
    %c0_i32_0 = arith.constant 0 : i32
    %c0_i32_1 = arith.constant 0 : i32
    return %c0_i32, %c0_i32_0 : i32, i32
  }
  func.func @transform_14(%arg0: i32) -> i32 {
    %c0_i32 = arith.constant 0 : i32
    %c0_i32_0 = arith.constant 0 : i32
    return %c0_i32 : i32
  }
  func.func @transform_15(%arg0: i32) -> (i32, i32) {
    %c0_i32 = arith.constant 0 : i32
    %c0_i32_0 = arith.constant 0 : i32
    %c0_i32_1 = arith.constant 0 : i32
    return %c0_i32, %c0_i32_0 : i32, i32
  }
  func.func @transform_16(%arg0: i32) -> i32 {
    %c0_i32 = arith.constant 0 : i32
    %c0_i32_0 = arith.constant 0 : i32
    return %c0_i32 : i32
  }
  func.func @transform_17(%arg0: i32) -> (i32, i32) {
    %c0_i32 = arith.constant 0 : i32
    %c0_i32_0 = arith.constant 0 : i32
    %c0_i32_1 = arith.constant 0 : i32
    return %c0_i32, %c0_i32_0 : i32, i32
  }
  func.func @transform_18(%arg0: i32) -> (i32, i32) {
    %c0_i32 = arith.constant 0 : i32
    %c0_i32_0 = arith.constant 0 : i32
    %c0_i32_1 = arith.constant 0 : i32
    return %c0_i32, %c0_i32_0 : i32, i32
  }
}

</mosaic_0001>

<sc_bundles>
// kernel: kernel.11.cloned.1.call-start
scs
__scs_entry_jumppad:
0x0: {  	(pc) =	sbr.rel $0x88, $3  }
0x1: {  	(tag) =	ssettag $0x0;
	lr =	simm.s32 $0x1  }
0x2: {  	[smem:$0x3F8A] =	sst lr;
	_ =	strace $0xD0000000  }
0x3: {  	_ = 	snop  }
0x4: {  	_ = 	snop  }
0x5: {  	_ = 	snop  }
0x6: {  	_ = 	snop  }
0x7: {  	_ = 	snop  }
__scs_overlays_trampoline_lowered:
0x8: {  	[smem:$0x3F99] =	sst s0  }
0x9: {  	[smem:$0x3F9A] =	sst s1  }
0xa: {  	[smem:$0x3F9B] =	sst s2  }
0xb: {  	[smem:$0x3F9C] =	sst s3  }
0xc: {  	[smem:$0x3F9D] =	sst s4  }
0xd: {  	[smem:$0x3F9E] =	sst s5  }
0xe: {  	[smem:$0x3F9F] =	sst s6  }
0xf: {  	[smem:$0x3FA0] =	sst s7  }
0x10: {  	[smem:$0x3FA1] =	sst s8  }
0x11: {  	[smem:$0x3FA2] =	sst s9;
	s0 =	simm.s32 @!p0 $0x0  }
0x12: {  	s1 =	sld [smem:$0x3F88];
	s0 =	simm.s32 @p0 $0x1  }
0x13: {  	[smem:$0x3FA3] =	sst s0;
	s0 =	simm.s32 @!p1 $0x0  }
0x14: {  	s2 =	sld [smem:$0x3F87];
	s0 =	simm.s32 @p1 $0x1  }
0x15: {  	[smem:$0x3FA4] =	sst s0;
	s0 =	simm.s32 @!p2 $0x0  }
0x16: {  	s3 =	sld [smem:$0x3FDB];
	s0 =	simm.s32 @p2 $0x1  }
0x17: {  	s4 =	simm.s32 $0x1BF5;
	[smem:$0x3FA6] =	sst s0  }
0x18: {  	s0 =	sld [smem:$0x3F89];
	_ =	swait.ge [sflag:s4], $0x0  }
0x19: {  	s7 =	sld [smem:$0x3F8A]  }
0x1a: {  	s8 =	sadd.s32 $0xFFFFE003, lr  }
0x1b: {  	s9 =	sadd.s32 $0xFFFFFEF7, lr;
	s5 =	simm.s32 $0xFFFFFFFF;
	p2 =	slt.u32 s8, $0xFFFFF086  }
0x1c: {  	p1 =	slt.u32 s9, $0xF7A;
	s5 =	simm.s32 @!p2 $0x0  }
0x1d: {  	s5 =	simm.s32 @p1 $0x1;
	p0 =	seq.s32 s7, s2  }
0x1e: {  	s7 =	smul.u32 @!p0 $0xF7A, s2;
	p2 =	seq.s32 @!p0 s5, $0x0  }
0x1f: {  	s9 =	smul.u32 $0xF7A, s1;
	s8 =	simm.s32 @!p0 $0x1BF5;
	p2 =	por !p2, p0  }
0x20: {  	[sflag:s8] =	ssyncset.s32 @!p0 $0xFFFFF086;
	s6 =	sadd.s32 @!p0 s3, s7;
	s7 =	simm.s32 @!p0 $0x108  }
0x21: {  	s3 =	sadd.s32 s3, s9;
	s6 =	sadd.s32 @!p0 $0x88, s6;
	s7 =	simm.s32 @p2 $0x1082  }
0x22: {  	[simem:s7], [sflag:s8] =	dma.local @!p0 [hbm:s6], $0xF7A  }
0x23: {  	s9 =	sor.u32 $0xD0000000, s2;
	s6 =	simm.s32 $0x108;
	_ =	swait.ge @!p0 [sflag:s8], $0x0  }
0x24: {  	s3 =	sadd.s32 $0x88, s3;
	s6 =	simm.s32 @!p1 $0x1082;
	[sflag:s4] =	ssyncset.s32 $0xFFFFF086  }
0x25: {  	[simem:s6], [sflag:s4] =	dma.local [hbm:s3], $0xF7A  }
0x26: {  	[smem:$0x3F8A] =	sst s1;
	(tag) =	ssettag s2;
	_ =	strace s9  }
0x27: {  	s1 =	sld [smem:$0x3F9A]  }
0x28: {  	s2 =	sld [smem:$0x3F9B]  }
0x29: {  	s4 =	sld [smem:$0x3F9D]  }
0x2a: {  	p0 =	seq.s32 s5, $0x0;
	s5 =	sld [smem:$0x3F9E]  }
0x2b: {  	s6 =	sld [smem:$0x3F9F]  }
0x2c: {  	s7 =	sld [smem:$0x3FA0]  }
0x2d: {  	s3 =	simm.s32 $0x108;
	s8 =	sld [smem:$0x3FA1]  }
0x2e: {  	s3 =	simm.s32 @!p0 $0x1082;
	s9 =	sld [smem:$0x3FA2]  }
0x2f: {  	lr =	sadd.s32 s0, s3;
	s0 =	sld [smem:$0x3F99]  }
0x30: {  	s3 =	sld [smem:$0x3F9C]  }
0x31: {  	[smem:$0x3FA5] =	sst s10  }
0x32: {  	s10 =	sld [smem:$0x3FA3];
	_ =	sdelay $0x3  }
0x33: {  	p0 =	seq.s32 s10, $0x1;
	s10 =	sld [smem:$0x3FA5];
	_ =	sdelay $0x3  }
0x34: {  	[smem:$0x3FA5] =	sst s10  }
0x35: {  	s10 =	sld [smem:$0x3FA4];
	_ =	sdelay $0x3  }
0x36: {  	p1 =	seq.s32 s10, $0x1;
	s10 =	sld [smem:$0x3FA5];
	_ =	sdelay $0x3  }
0x37: {  	[smem:$0x3FA5] =	sst s10  }
0x38: {  	s10 =	sld [smem:$0x3FA6]  }
0x39: {  	_ = 	snop;
	(pc) =	sbr.ind lr, $3  }
0x3a: {  	_ = 	snop  }
0x3b: {  	_ = 	snop  }
0x3c: {  	p2 =	seq.s32 s10, $0x1;
	s10 =	sld [smem:$0x3FA5]  }
0x3d: {  	_ =	shalt  }
0x3e: {  	_ =	shalt  }
0x3f: {  	_ =	shalt  }
0x40: {  	_ =	shalt  }
0x41: {  	_ =	shalt  }
0x42: {  	_ =	shalt  }
0x43: {  	_ =	shalt  }
0x44: {  	_ =	shalt  }
0x45: {  	_ =	shalt  }
0x46: {  	_ =	shalt  }
0x47: {  	_ =	shalt  }
0x48: {  	_ =	shalt  }
0x49: {  	_ =	shalt  }
0x4a: {  	_ =	shalt  }
0x4b: {  	_ =	shalt  }
0x4c: {  	_ =	shalt  }
0x4d: {  	_ =	shalt  }
0x4e: {  	_ =	shalt  }
0x4f: {  	_ =	shalt  }
0x50: {  	_ =	shalt  }
0x51: {  	_ =	shalt  }
0x52: {  	_ =	shalt  }
0x53: {  	_ =	shalt  }
0x54: {  	_ =	shalt  }
0x55: {  	_ =	shalt  }
0x56: {  	_ =	shalt  }
0x57: {  	_ =	shalt  }
0x58: {  	_ =	shalt  }
0x59: {  	_ =	shalt  }
0x5a: {  	_ =	shalt  }
0x5b: {  	_ =	shalt  }
0x5c: {  	_ =	shalt  }
0x5d: {  	_ =	shalt  }
0x5e: {  	_ =	shalt  }
0x5f: {  	_ =	shalt  }
0x60: {  	_ =	shalt  }
0x61: {  	_ =	shalt  }
0x62: {  	_ =	shalt  }
0x63: {  	_ =	shalt  }
0x64: {  	_ =	shalt  }
0x65: {  	_ =	shalt  }
0x66: {  	_ =	shalt  }
0x67: {  	_ =	shalt  }
0x68: {  	_ =	shalt  }
0x69: {  	_ =	shalt  }
0x6a: {  	_ =	shalt  }
0x6b: {  	_ =	shalt  }
0x6c: {  	_ =	shalt  }
0x6d: {  	_ =	shalt  }
0x6e: {  	_ =	shalt  }
0x6f: {  	_ =	shalt  }
0x70: {  	_ =	shalt  }
0x71: {  	_ =	shalt  }
0x72: {  	_ =	shalt  }
0x73: {  	_ =	shalt  }
0x74: {  	_ =	shalt  }
0x75: {  	_ =	shalt  }
0x76: {  	_ =	shalt  }
0x77: {  	_ =	shalt  }
0x78: {  	_ =	shalt  }
0x79: {  	_ =	shalt  }
0x7a: {  	_ =	shalt  }
0x7b: {  	_ =	shalt  }
0x7c: {  	_ =	shalt  }
0x7d: {  	_ =	shalt  }
0x7e: {  	_ =	shalt  }
0x7f: {  	_ =	shalt  }
0x80: {  	_ =	shalt  }
0x81: {  	_ =	shalt  }
0x82: {  	_ =	shalt  }
0x83: {  	_ =	shalt  }
0x84: {  	_ =	shalt  }
0x85: {  	_ =	shalt  }
0x86: {  	_ =	shalt  }
0x87: {  	_ =	shalt  }
.Lfunc_end0:
.L_simem_size_0:
called_computation.1_lowered:
.L_overlay_start_0:
0x88: {  	s2 =	sld [smem:$0x3FD9]  }
0x89: {  	s3 =	sld [smem:$0x3FFE];
	_ =	sdelay $0x1  }
0x8a: {  	s1 =	srdreg.scid  }
0x8b: {  	s0 =	sand.u32 $0x1, s1  }
0x8c: {  	s16 =	sshll.u32 s0, $0xA;
	s2 =	sadd.s32 s3, s2  }
0x8d: {  	s2 =	sadd.s32 s2, s16  }
0x8e: {  	[smem:$0x3FB1] =	sst s2  }
0x8f: {  	_ = 	snop  }
0x90: {  	(tm) =	ssettm $0x1  }
0x91: {  	s17 =	sld [smem:$0x3FFB];
	_ =	sdelay $0x3  }
0x92: {  	_ =	strace s17  }
0x93: {  	s2 =	sld [smem:$0x3FFC];
	_ =	sdelay $0x3  }
0x94: {  	_ =	strace s2  }
0x95: {  	s2 =	sld [smem:$0x3FFD];
	_ =	sdelay $0x3  }
0x96: {  	_ =	strace s2  }
0x97: {  	_ =	strace $0x8FFFFFFF  }
0x98: {  	s18 =	sld [smem:$0x3FDB];
	_ =	sdelay $0x1  }
0x99: {  	s19 =	simm.s32 $_scs_section_size  }
0x9a: {  	s4 =	simm.s32 $_size__tile_overlayer_lowered;
	s5 =	simm.s32 $_tile_overlayer_lowered  }
0x9b: {  	s22 =	simm.s32 $0x1BFF;
	s21 =	sshll.u32 s5, $0x1;
	s2 =	sadd.s32 s19, s18  }
0x9c: {  	s6 =	simm.s32 $0x0;
	s20 =	sshll.u32 s4, $0x1;
	s4 =	sadd.s32 s21, s2  }
0x9d: {  	[timem:s6], [sflag:s22] =	dma.local [hbm:s4], s20  }
0x9e: {  	_ =	swait.ge [sflag:s22], s20  }
0x9f: {  	s3 =	ssub.s32 $0x0, s20;
	[sflag:s22] =	ssyncset.done $0x0  }
0xa0: {  	[sflag:s22] =	ssyncadd.s32 s3;
	_ =	sdelay $0x1  }
0xa1: {  	s23 =	simm.s32 $0x1B8B  }
0xa2: {  	_ =	swait.ge [sflag:s23], $0x1  }
0xa3: {  	[sflag:s23] =	ssyncset.done $0x0  }
0xa4: {  	s25 =	simm.s32 $0x1B8E;
	s24 =	sld [smem:$0x3FFE];
	[sflag:s23] =	ssyncadd.s32 $0xFFFFFFFF  }
0xa5: {  	s26 =	simm.s32 $execute0_lowered;
	[smem:$0x3FD2] =	sst s25  }
0xa6: {  	s4 =	sshll.u32 s26, $0x1;
	_ =	strace $0x80000049;
	[dreg:$0x1] =	wrdreg $0xFFFFFFFF  }
0xa7: {  	s28 =	simm.s32 $_size_execute0_lowered;
	s2 =	sadd.s32 s2, s4;
	[dreg:$0x0] =	wrdreg $0x0  }
0xa8: {  	s4 =	sshll.u32 s28, $0x1;
	[dreg:$0x2] =	wrdreg s2  }
0xa9: {  	[dreg:$0x3] =	wrdreg s4  }
0xaa: {  	[dreg:$0x4] =	wrdreg $0xC0  }
0xab: {  	_ =	task [dreg:s6], $0x5FFFF  }
0xac: {  	[dreg:$0x1] =	wrdreg $0xFFFFFFFF  }
0xad: {  	[dreg:$0x0] =	wrdreg $0x60  }
0xae: {  	[dreg:$0x2] =	wrdreg s24  }
0xaf: {  	[dreg:$0x3] =	wrdreg $0x3CA00  }
0xb0: {  	[dreg:$0x4] =	wrdreg $0x9  }
0xb1: {  	_ =	task.clear_ibuf [dreg:s6], $0x5FFFF;
	_ =	strace $0x90000049  }
0xb2: {  	s29 =	simm.s32 $0x9;
	_ =	strace $0x8000004B  }
0xb3: {  	_ =	swait.ge [sflag:s29], $0x1  }
0xb4: {  	[sflag:s29] =	ssyncadd.s32 $0xFFFFFFFF  }
0xb5: {  	_ =	strace $0x9000004B  }
0xb6: {  	_ =	sfence  }
0xb7: {  	s30 =	sld [smem:$0x0];
	_ =	sdelay $0x2  }
0xb8: {  	s31 =	sshll.u32 s1, $0xD;
	s1 =	sshrl.u32 s1, $0x2  }
0xb9: {  	s3 =	sand.u32 $0x4000, s31;
	s1 =	sadd.s32 s1, s30  }
0xba: {  	s0 =	sor.u32 s3, s0;
	s1 =	sshll.u32 s1, $0x11  }
0xbb: {  	s0 =	sor.u32 s1, s0  }
0xbc: {  	s0 =	sadd.s32 $0x8F2B, s0  }
0xbd: {  	[sflag:s0] =	ssyncadd.remote.s32 $0x1  }
0xbe: {  	_ =	sfence.sel $0xFFFF  }
0xbf: {  	[dreg:$0x0] =	wrdreg $0xFFFFFFFF;
	(pc) =	sbr.abs _section_cstart, $3  }
0xc0: {  	[dreg:$0x1] =	wrdreg $0xFFFFFFFF  }
0xc1: {  	_ =	task.clear_ibuf [dreg:s6], $0x2FFFF;
	_ =	strace $0x9FFFFFFF  }
0xc2: {  	(tm) =	ssettm $0x7FFFFFFF  }
0xc3: {  	_ =	shalt  }
tec
execute0_lowered:
.L_overlay_start_1:
0x0: {  	(tag) =	ssettag $0x1  }
0x1: {  	s9 =	rddreg [dreg:$0x0]  }
0x2: {  	s1 =	rddreg [dreg:$0x1]  }
0x3: {  	s0 =	rddreg [dreg:$0x2];
	s2 =	simm.s32 $0x0;
	s6 =	srdreg.scid  }
0x4: {  	[smem:$0x7FF] =	sst s2;
	s3 =	sadd.s32 $0xE800, s9;
	s4 =	sadd.s32 $0x4A00, s9  }
0x5: {  	s5 =	sadd.s32 $0xEF600, s9;
	s11 =	sadd.s32 $0xB8600, s9;
	s7 =	sadd.s32 $0x12B600, s9  }
0x6: {  	s12 =	sadd.s32 $0x126600, s9;
	s10 =	sand.u32 $0x1, s6;
	s8 =	sadd.s32 $0x130600, s9  }
0x7: {  	s6 =	stileid.u32;
	s14 =	sadd.s32 $0x16AE00, s9;
	s17 =	sadd.s32 $0x133E00, s9  }
0x8: {  	_ =	strace $0x8000004A;
	s13 =	ssub.s32 $0x2, s10;
	s16 =	smul.u32 $0x1B800, s6  }
0x9: {  	s30 =	sshll.u32 s6, $0x6;
	p0 =	seq.s32 s10, $0x1;
	s10 =	smul.u32 $0xFA, s6  }
0xa: {  	s15 =	sshrl.u32 s13, $0x1;
	s9 =	sor.u32 $0x1C01, s30;
	s5 =	smov.u32 @p0 s11  }
0xb: {  	s7 =	smov.u32 @p0 s12;
	s14 =	smov.u32 @p0 s17;
	s17 =	simm.s32 $0x37A0  }
0xc: {  	s13 =	ssub.s32 s13, s15;
	s31 =	sadd.s32 s16, s1;
	s16 =	sshrl.u32 s16, $0x3  }
0xd: {  	s15 =	simm.s32 $0x50;
	s11 =	smax.u32 s13, $0x1;
	s12 =	sadd.s32 s14, s16  }
0xe: {  	s13 =	sshrl.u32 s31, $0x3;
	s14 =	simm.s32 $0x1;
	s16 =	simm.s32 $0xA0  }
.LBB2_1:
0xf: {  	[spmem:s13], [sflag:s9] =	dma.local [hbm:s8], $0x3700  }
0x10: {  	_ =	swait.ge [sflag:s14], $0x3700  }
0x11: {  	[sflag:s14] =	ssyncset.done $0x0  }
0x12: {  	[sflag:s14] =	ssyncadd.s32 $0xFFFFC900  }
0x13: {  	s18 =	simm.s32 $0x0;
	[bflag:$0x0] =	sbarrier.arrive $0xFFFF  }
.LBB2_2:
0x14: {  	s19 =	sadd.s32 s10, s18  }
0x15: {  	s19 =	smul.u32 $0xA, s19;
	_ =	sdelay $0x1  }
0x16: {  	s21 =	simm.s32 $0x0;
	s20 =	sadd.s32 s3, s19  }
0x17: {  	[tilespmem:s21], [sflag:$0x1] =	stream.linear.gather [hbm4b:s20+s21], $0x50, $0x38;
	[tilespmem:$0x1F4A0] =	vst v63  }
0x18: {  	_ =	swait.ge [sflag:s14], $0x50  }
0x19: {  	[sflag:s14] =	ssyncset.done $0x0  }
0x1a: {  	s19 =	sadd.s32 s4, s19;
	[sflag:s14] =	ssyncadd.s32 $0xFFFFFFB0  }
0x1b: {  	[tilespmem:s15], [sflag:$0x1] =	stream.linear.gather [hbm4b:s19+s21], $0x50, $0x38;
	[tilespmem:$0x1F4A0] =	vst v63  }
0x1c: {  	_ =	swait.ge [sflag:s14], $0x50  }
0x1d: {  	[sflag:s14] =	ssyncset.done $0x0  }
0x1e: {  	[sflag:s14] =	ssyncadd.s32 $0xFFFFFFB0  }
0x1f: {  	[tilespmem:s16], [sflag:$0x1] =	stream.indirect.gather [hbm4b:s5+s15], $0xB0, s21, s15, $0xb8;
	[tilespmem:$0x1F4A0] =	vst v63  }
0x20: {  	_ =	swait.ge [sflag:s14], $0x3700  }
0x21: {  	[sflag:s14] =	ssyncset.done $0x0  }
0x22: {  	[sflag:s14] =	ssyncadd.s32 $0xFFFFC900  }
0x23: {  	[tilespmem:s17], [sflag:$0x1] =	stream.indirect.gather [hbm4b:s7+s15], $0x10, s15, s15, $0xb8;
	[tilespmem:$0x1F4A0] =	vst v63  }
0x24: {  	_ =	swait.ge [sflag:s14], $0x500  }
0x25: {  	[sflag:s14] =	ssyncset.done $0x0  }
0x26: {  	s19 =	simm.s32 $0xE0;
	[sflag:s14] =	ssyncadd.s32 $0xFFFFFB00  }
0x27: {  	s22 =	simm.s32 $0x0;
	s20 =	simm.s32 $0xE0;
	s21 =	simm.s32 $0x40;
	v0 =	vld [tilespmem:s19+$0x40]  }
.LBB2_3:
0x28: {  	p0 =	sne.s32 s21, $0x13C0;
	v1 =	vld [tilespmem:s22+$0x37A0];
	_ =	sdelay $0x4  }
0x29: {  	v0 =	vadd.f32 v1, v0;
	_ =	sdelay $0x1  }
0x2a: {  	v1 =	vmul.f32 $2.000000030e-01, v0  }
0x2b: {  	vm0 =	vgt.f32 v0, $0.0e+00  }
0x2c: {  	v0 =	vsel vm0, v0, v1  }
0x2d: {  	v0 =	vmul.f32 $1.442695020e+00, v0;
	_ =	sdelay $0x1  }
0x2e: {  	(erf) = vpow2.f32 v0  }
0x2f: {  	v0 =	vld [tilespmem:s19+$0xFFFFFFF0]  }
0x30: {  	v1 =	vld [tilespmem:s19+$0x30]  }
0x31: {  	v2 =	vld [tilespmem:s19+$0x20]  }
0x32: {  	v3 =	vld [tilespmem:s19+$0x10]  }
0x33: {  	v4 =	vld [tilespmem:s19+$0x0]  }
0x34: {  	v5 =	vld [tilespmem:s19+$0xFFFFFFE0]  }
0x35: {  	v6 =	vld [tilespmem:s19+$0xFFFFFFD0]  }
0x36: {  	v7 =	vld [tilespmem:s19+$0xFFFFFFC0]  }
0x37: {  	v8 =	vpop (erf)  }
0x38: {  	[tilespmem:s19+$0x40] =	vst v8;
	v2 =	vmul.f32 v2, v8;
	v1 =	vmul.f32 v1, v8  }
0x39: {  	v4 =	vmul.f32 v4, v8;
	v3 =	vmul.f32 v3, v8  }
0x3a: {  	v0 =	vmul.f32 v0, v8;
	v5 =	vmul.f32 v5, v8;
	[tilespmem:s19+$0x30] =	vst v1  }
0x3b: {  	v6 =	vmul.f32 v8, v6;
	v1 =	vmul.f32 v8, v7;
	[tilespmem:s19+$0x20] =	vst v2  }
0x3c: {  	[tilespmem:s19+$0x10] =	vst v3  }
.Ltmp0:
0x3d: {  	[tilespmem:s19+$0x0] =	vst v4;
	(pc) =	sbr.rel @p0 .LBB2_3-.Ltmp0, $4  }
0x3e: {  	[tilespmem:s19+$0xFFFFFFF0] =	vst v0  }
0x3f: {  	[tilespmem:s19+$0xFFFFFFE0] =	vst v5  }
0x40: {  	s19 =	sadd.s32 $0xB0, s19;
	[tilespmem:s20+$0xFFFFFFD0] =	vst v6  }
0x41: {  	s22 =	sshra.s32 s21, $0x2;
	s21 =	sadd.s32 $0x40, s21;
	v0 =	vld [tilespmem:s19+$0x40];
	[tilespmem:s20+$0xFFFFFFC0] =	vst v1;
	s20 =	smov.u32 s19  }
0x42: {  	v1 =	vld [tilespmem:s22+$0x37A0];
	_ =	sdelay $0x4  }
0x43: {  	v0 =	vadd.f32 v1, v0;
	_ =	sdelay $0x1  }
0x44: {  	v1 =	vmul.f32 $2.000000030e-01, v0  }
0x45: {  	vm0 =	vgt.f32 v0, $0.0e+00  }
0x46: {  	v0 =	vsel vm0, v0, v1  }
0x47: {  	v0 =	vmul.f32 $1.442695020e+00, v0;
	_ =	sdelay $0x1  }
0x48: {  	(erf) = vpow2.f32 v0;
	_ =	sdelay $0x4  }
0x49: {  	v57 =	vld [tilespmem:s19+$0x30]  }
0x4a: {  	v58 =	vld [tilespmem:s19+$0x20]  }
0x4b: {  	v2 =	vld [tilespmem:s19+$0x10]  }
0x4c: {  	v3 =	vld [tilespmem:s19+$0x0]  }
0x4d: {  	v4 =	vld [tilespmem:s19+$0xFFFFFFF0];
	v5 =	vpop (erf)  }
0x4e: {  	v6 =	vld [tilespmem:s19+$0xFFFFFFE0];
	v0 =	vmul.f32 v57, v5  }
0x4f: {  	v7 =	vld [tilespmem:s19+$0xFFFFFFD0];
	[tilespmem:s19+$0x40] =	vst v5;
	v1 =	vmul.f32 v58, v5  }
0x50: {  	v8 =	vld [tilespmem:s19+$0xFFFFFFC0];
	v2 =	vmul.f32 v2, v5;
	[tilespmem:s19+$0x30] =	vst v0  }
0x51: {  	v59 =	vmul.f32 v3, v5;
	[tilespmem:s19+$0x20] =	vst v1  }
0x52: {  	v60 =	vmul.f32 v4, v5;
	[tilespmem:s19+$0x10] =	vst v2  }
0x53: {  	v61 =	vmul.f32 v6, v5;
	[tilespmem:s19+$0x0] =	vst v59  }
0x54: {  	v62 =	vmul.f32 v5, v7;
	[tilespmem:s19+$0xFFFFFFF0] =	vst v60  }
0x55: {  	s18 =	sadd.s32 $0x1, s18;
	v63 =	vmul.f32 v5, v8;
	[tilespmem:s19+$0xFFFFFFE0] =	vst v61  }
0x56: {  	p0 =	sne.s32 s18, $0xFA;
	[tilespmem:s20+$0xFFFFFFD0] =	vst v62  }
.Ltmp1:
0x57: {  	[tilespmem:s20+$0xFFFFFFC0] =	vst v63;
	(pc) =	sbr.rel @p0 .LBB2_2-.Ltmp1, $4  }
0x58: {  	[spmem:s1] =	stream.indirect.scatter.add.f32 [tilespmem:s16], [sflag:$0x1], $0xB0, s15, s15, $0xb8;
	[tilespmem:$0x1F4A0] =	vst v63  }
0x59: {  	_ =	swait.ge [sflag:s14], $0x3700  }
0x5a: {  	[sflag:s14] =	ssyncset.done $0x0  }
0x5b: {  	[sflag:s14] =	ssyncadd.s32 $0xFFFFC900  }
0x5c: {  	s2 =	sadd.s32 $0x1, s2  }
0x5d: {  	p0 =	sne.s32 s2, s11  }
.Ltmp2:
0x5e: {  	[bflag:$0x0] =	sbarrier.arrive $0xFFFF;
	(pc) =	sbr.rel @p0 .LBB2_1-.Ltmp2, $4  }
0x5f: {  	[hbm:s12], [sflag:s9] =	dma.local [spmem:s13], $0x3700  }
0x60: {  	_ =	swait.ge [sflag:s14], $0x3700  }
0x61: {  	[sflag:s14] =	ssyncset.done $0x0  }
0x62: {  	[sflag:s14] =	ssyncadd.s32 $0xFFFFC900  }
0x63: {  	_ =	sfence.sel $0x180000  }
0x64: {  	[bflag:$0x0] =	sbarrier.arrive $0xFFFF  }
0x65: {  	p0 =	sne.s32 s6, $0x0;
	_ =	strace $0x9000004A  }
0x66: {  	s0 =	sadd.s32 @!p0 $0x100000, s0;
	[bflag:$0x2] =	sbarrier.arrive $0xFFFF  }
0x67: {  	[sflag:s0] =	ssyncadd.tile.s32 @!p0 $0x1;
	_ =	shalt  }
.Lfunc_end2:
_tile_overlayer_lowered:
.L_overlay_start_2:
0x68: {  	(tag) =	ssettag $0x2  }
0x69: {  	s0 =	rddreg [dreg:$0x0];
	s2 =	stileid.u32  }
0x6a: {  	s1 =	rddreg [dreg:$0x1];
	p0 =	sne.s32 s2, $0x0  }
0x6b: {  	s3 =	rddreg [dreg:$0x2];
	[bflag:$0x3] =	sbarrier.arrive $0xFFFF;
	s2 =	simm.s32 @!p0 $0x1C01  }
0x6c: {  	[timem:s3], [sflag:s2] =	dma.local @!p0 [hbm:s0], s1  }
0x6d: {  	s0 =	simm.s32 @!p0 $0x1  }
0x6e: {  	_ =	swait.ge @!p0 [sflag:s0], s1  }
0x6f: {  	s1 =	ssub.s32 @!p0 $0x0, s1;
	[sflag:s0] =	ssyncset.done @!p0 $0x0  }
0x70: {  	[sflag:s0] =	ssyncadd.s32 @!p0 s1  }
0x71: {  	[bflag:$0x3] =	sbarrier.arrive $0xFFFF  }
0x72: {  	_ =	shalt  }

// kernel: kernel.14.cloned.1.call-start
scs
__scs_entry_jumppad:
0x0: {  	(pc) =	sbr.rel $0x88, $3  }
0x1: {  	(tag) =	ssettag $0x0;
	lr =	simm.s32 $0x1  }
0x2: {  	[smem:$0x3F8A] =	sst lr;
	_ =	strace $0xD0000000  }
0x3: {  	_ = 	snop  }
0x4: {  	_ = 	snop  }
0x5: {  	_ = 	snop  }
0x6: {  	_ = 	snop  }
0x7: {  	_ = 	snop  }
__scs_overlays_trampoline_lowered:
0x8: {  	[smem:$0x3F99] =	sst s0  }
0x9: {  	[smem:$0x3F9A] =	sst s1  }
0xa: {  	[smem:$0x3F9B] =	sst s2  }
0xb: {  	[smem:$0x3F9C] =	sst s3  }
0xc: {  	[smem:$0x3F9D] =	sst s4  }
0xd: {  	[smem:$0x3F9E] =	sst s5  }
0xe: {  	[smem:$0x3F9F] =	sst s6  }
0xf: {  	[smem:$0x3FA0] =	sst s7  }
0x10: {  	[smem:$0x3FA1] =	sst s8  }
0x11: {  	[smem:$0x3FA2] =	sst s9;
	s0 =	simm.s32 @!p0 $0x0  }
0x12: {  	s1 =	sld [smem:$0x3F88];
	s0 =	simm.s32 @p0 $0x1  }
0x13: {  	[smem:$0x3FA3] =	sst s0;
	s0 =	simm.s32 @!p1 $0x0  }
0x14: {  	s2 =	sld [smem:$0x3F87];
	s0 =	simm.s32 @p1 $0x1  }
0x15: {  	[smem:$0x3FA4] =	sst s0;
	s0 =	simm.s32 @!p2 $0x0  }
0x16: {  	s3 =	sld [smem:$0x3FDB];
	s0 =	simm.s32 @p2 $0x1  }
0x17: {  	s4 =	simm.s32 $0x1BF5;
	[smem:$0x3FA6] =	sst s0  }
0x18: {  	s0 =	sld [smem:$0x3F89];
	_ =	swait.ge [sflag:s4], $0x0  }
0x19: {  	s7 =	sld [smem:$0x3F8A]  }
0x1a: {  	s8 =	sadd.s32 $0xFFFFE003, lr  }
0x1b: {  	s9 =	sadd.s32 $0xFFFFFEF7, lr;
	s5 =	simm.s32 $0xFFFFFFFF;
	p2 =	slt.u32 s8, $0xFFFFF086  }
0x1c: {  	p1 =	slt.u32 s9, $0xF7A;
	s5 =	simm.s32 @!p2 $0x0  }
0x1d: {  	s5 =	simm.s32 @p1 $0x1;
	p0 =	seq.s32 s7, s2  }
0x1e: {  	s7 =	smul.u32 @!p0 $0xF7A, s2;
	p2 =	seq.s32 @!p0 s5, $0x0  }
0x1f: {  	s9 =	smul.u32 $0xF7A, s1;
	s8 =	simm.s32 @!p0 $0x1BF5;
	p2 =	por !p2, p0  }
0x20: {  	[sflag:s8] =	ssyncset.s32 @!p0 $0xFFFFF086;
	s6 =	sadd.s32 @!p0 s3, s7;
	s7 =	simm.s32 @!p0 $0x108  }
0x21: {  	s3 =	sadd.s32 s3, s9;
	s6 =	sadd.s32 @!p0 $0x88, s6;
	s7 =	simm.s32 @p2 $0x1082  }
0x22: {  	[simem:s7], [sflag:s8] =	dma.local @!p0 [hbm:s6], $0xF7A  }
0x23: {  	s9 =	sor.u32 $0xD0000000, s2;
	s6 =	simm.s32 $0x108;
	_ =	swait.ge @!p0 [sflag:s8], $0x0  }
0x24: {  	s3 =	sadd.s32 $0x88, s3;
	s6 =	simm.s32 @!p1 $0x1082;
	[sflag:s4] =	ssyncset.s32 $0xFFFFF086  }
0x25: {  	[simem:s6], [sflag:s4] =	dma.local [hbm:s3], $0xF7A  }
0x26: {  	[smem:$0x3F8A] =	sst s1;
	(tag) =	ssettag s2;
	_ =	strace s9  }
0x27: {  	s1 =	sld [smem:$0x3F9A]  }
0x28: {  	s2 =	sld [smem:$0x3F9B]  }
0x29: {  	s4 =	sld [smem:$0x3F9D]  }
0x2a: {  	p0 =	seq.s32 s5, $0x0;
	s5 =	sld [smem:$0x3F9E]  }
0x2b: {  	s6 =	sld [smem:$0x3F9F]  }
0x2c: {  	s7 =	sld [smem:$0x3FA0]  }
0x2d: {  	s3 =	simm.s32 $0x108;
	s8 =	sld [smem:$0x3FA1]  }
0x2e: {  	s3 =	simm.s32 @!p0 $0x1082;
	s9 =	sld [smem:$0x3FA2]  }
0x2f: {  	lr =	sadd.s32 s0, s3;
	s0 =	sld [smem:$0x3F99]  }
0x30: {  	s3 =	sld [smem:$0x3F9C]  }
0x31: {  	[smem:$0x3FA5] =	sst s10  }
0x32: {  	s10 =	sld [smem:$0x3FA3];
	_ =	sdelay $0x3  }
0x33: {  	p0 =	seq.s32 s10, $0x1;
	s10 =	sld [smem:$0x3FA5];
	_ =	sdelay $0x3  }
0x34: {  	[smem:$0x3FA5] =	sst s10  }
0x35: {  	s10 =	sld [smem:$0x3FA4];
	_ =	sdelay $0x3  }
0x36: {  	p1 =	seq.s32 s10, $0x1;
	s10 =	sld [smem:$0x3FA5];
	_ =	sdelay $0x3  }
0x37: {  	[smem:$0x3FA5] =	sst s10  }
0x38: {  	s10 =	sld [smem:$0x3FA6]  }
0x39: {  	_ = 	snop;
	(pc) =	sbr.ind lr, $3  }
0x3a: {  	_ = 	snop  }
0x3b: {  	_ = 	snop  }
0x3c: {  	p2 =	seq.s32 s10, $0x1;
	s10 =	sld [smem:$0x3FA5]  }
0x3d: {  	_ =	shalt  }
0x3e: {  	_ =	shalt  }
0x3f: {  	_ =	shalt  }
0x40: {  	_ =	shalt  }
0x41: {  	_ =	shalt  }
0x42: {  	_ =	shalt  }
0x43: {  	_ =	shalt  }
0x44: {  	_ =	shalt  }
0x45: {  	_ =	shalt  }
0x46: {  	_ =	shalt  }
0x47: {  	_ =	shalt  }
0x48: {  	_ =	shalt  }
0x49: {  	_ =	shalt  }
0x4a: {  	_ =	shalt  }
0x4b: {  	_ =	shalt  }
0x4c: {  	_ =	shalt  }
0x4d: {  	_ =	shalt  }
0x4e: {  	_ =	shalt  }
0x4f: {  	_ =	shalt  }
0x50: {  	_ =	shalt  }
0x51: {  	_ =	shalt  }
0x52: {  	_ =	shalt  }
0x53: {  	_ =	shalt  }
0x54: {  	_ =	shalt  }
0x55: {  	_ =	shalt  }
0x56: {  	_ =	shalt  }
0x57: {  	_ =	shalt  }
0x58: {  	_ =	shalt  }
0x59: {  	_ =	shalt  }
0x5a: {  	_ =	shalt  }
0x5b: {  	_ =	shalt  }
0x5c: {  	_ =	shalt  }
0x5d: {  	_ =	shalt  }
0x5e: {  	_ =	shalt  }
0x5f: {  	_ =	shalt  }
0x60: {  	_ =	shalt  }
0x61: {  	_ =	shalt  }
0x62: {  	_ =	shalt  }
0x63: {  	_ =	shalt  }
0x64: {  	_ =	shalt  }
0x65: {  	_ =	shalt  }
0x66: {  	_ =	shalt  }
0x67: {  	_ =	shalt  }
0x68: {  	_ =	shalt  }
0x69: {  	_ =	shalt  }
0x6a: {  	_ =	shalt  }
0x6b: {  	_ =	shalt  }
0x6c: {  	_ =	shalt  }
0x6d: {  	_ =	shalt  }
0x6e: {  	_ =	shalt  }
0x6f: {  	_ =	shalt  }
0x70: {  	_ =	shalt  }
0x71: {  	_ =	shalt  }
0x72: {  	_ =	shalt  }
0x73: {  	_ =	shalt  }
0x74: {  	_ =	shalt  }
0x75: {  	_ =	shalt  }
0x76: {  	_ =	shalt  }
0x77: {  	_ =	shalt  }
0x78: {  	_ =	shalt  }
0x79: {  	_ =	shalt  }
0x7a: {  	_ =	shalt  }
0x7b: {  	_ =	shalt  }
0x7c: {  	_ =	shalt  }
0x7d: {  	_ =	shalt  }
0x7e: {  	_ =	shalt  }
0x7f: {  	_ =	shalt  }
0x80: {  	_ =	shalt  }
0x81: {  	_ =	shalt  }
0x82: {  	_ =	shalt  }
0x83: {  	_ =	shalt  }
0x84: {  	_ =	shalt  }
0x85: {  	_ =	shalt  }
0x86: {  	_ =	shalt  }
0x87: {  	_ =	shalt  }
.Lfunc_end0:
.L_simem_size_0:
called_computation.2_lowered:
.L_overlay_start_0:
0x88: {  	s2 =	sld [smem:$0x3FD9]  }
0x89: {  	s3 =	sld [smem:$0x3FFE];
	_ =	sdelay $0x1  }
0x8a: {  	s1 =	srdreg.scid  }
0x8b: {  	s0 =	sand.u32 $0x1, s1  }
0x8c: {  	s16 =	sshll.u32 s0, $0xA;
	s2 =	sadd.s32 s3, s2  }
0x8d: {  	s2 =	sadd.s32 s2, s16  }
0x8e: {  	[smem:$0x3FB1] =	sst s2  }
0x8f: {  	_ = 	snop  }
0x90: {  	(tm) =	ssettm $0x1  }
0x91: {  	s17 =	sld [smem:$0x3FFB];
	_ =	sdelay $0x3  }
0x92: {  	_ =	strace s17  }
0x93: {  	s2 =	sld [smem:$0x3FFC];
	_ =	sdelay $0x3  }
0x94: {  	_ =	strace s2  }
0x95: {  	s2 =	sld [smem:$0x3FFD];
	_ =	sdelay $0x3  }
0x96: {  	_ =	strace s2  }
0x97: {  	_ =	strace $0x8FFFFFFF  }
0x98: {  	s18 =	sld [smem:$0x3FDB];
	_ =	sdelay $0x1  }
0x99: {  	s19 =	simm.s32 $_scs_section_size  }
0x9a: {  	s4 =	simm.s32 $_size__tile_overlayer_lowered;
	s5 =	simm.s32 $_tile_overlayer_lowered  }
0x9b: {  	s22 =	simm.s32 $0x1BFF;
	s21 =	sshll.u32 s5, $0x1;
	s2 =	sadd.s32 s19, s18  }
0x9c: {  	s6 =	simm.s32 $0x0;
	s20 =	sshll.u32 s4, $0x1;
	s4 =	sadd.s32 s21, s2  }
0x9d: {  	[timem:s6], [sflag:s22] =	dma.local [hbm:s4], s20  }
0x9e: {  	_ =	swait.ge [sflag:s22], s20  }
0x9f: {  	s3 =	ssub.s32 $0x0, s20;
	[sflag:s22] =	ssyncset.done $0x0  }
0xa0: {  	[sflag:s22] =	ssyncadd.s32 s3;
	_ =	sdelay $0x1  }
0xa1: {  	s23 =	simm.s32 $0x1B8B  }
0xa2: {  	_ =	swait.ge [sflag:s23], $0x1  }
0xa3: {  	[sflag:s23] =	ssyncset.done $0x0  }
0xa4: {  	s25 =	simm.s32 $0x1B8E;
	s24 =	sld [smem:$0x3FFE];
	[sflag:s23] =	ssyncadd.s32 $0xFFFFFFFF  }
0xa5: {  	s26 =	simm.s32 $execute0_lowered;
	[smem:$0x3FD2] =	sst s25  }
0xa6: {  	s4 =	sshll.u32 s26, $0x1;
	_ =	strace $0x8000004C;
	[dreg:$0x1] =	wrdreg $0xFFFFFFFF  }
0xa7: {  	s28 =	simm.s32 $_size_execute0_lowered;
	s2 =	sadd.s32 s2, s4;
	[dreg:$0x0] =	wrdreg $0x0  }
0xa8: {  	s4 =	sshll.u32 s28, $0x1;
	[dreg:$0x2] =	wrdreg s2  }
0xa9: {  	[dreg:$0x3] =	wrdreg s4  }
0xaa: {  	[dreg:$0x4] =	wrdreg $0xC0  }
0xab: {  	_ =	task [dreg:s6], $0x5FFFF  }
0xac: {  	[dreg:$0x1] =	wrdreg $0xFFFFFFFF  }
0xad: {  	[dreg:$0x0] =	wrdreg $0x60  }
0xae: {  	[dreg:$0x2] =	wrdreg s24  }
0xaf: {  	[dreg:$0x3] =	wrdreg $0x1EA00  }
0xb0: {  	[dreg:$0x4] =	wrdreg $0x9  }
0xb1: {  	_ =	task.clear_ibuf [dreg:s6], $0x5FFFF;
	_ =	strace $0x9000004C  }
0xb2: {  	s29 =	simm.s32 $0x9;
	_ =	strace $0x8000004E  }
0xb3: {  	_ =	swait.ge [sflag:s29], $0x1  }
0xb4: {  	[sflag:s29] =	ssyncadd.s32 $0xFFFFFFFF  }
0xb5: {  	_ =	strace $0x9000004E  }
0xb6: {  	_ =	sfence  }
0xb7: {  	s30 =	sld [smem:$0x0];
	_ =	sdelay $0x2  }
0xb8: {  	s31 =	sshll.u32 s1, $0xD;
	s1 =	sshrl.u32 s1, $0x2  }
0xb9: {  	s3 =	sand.u32 $0x4000, s31;
	s1 =	sadd.s32 s1, s30  }
0xba: {  	s0 =	sor.u32 s3, s0;
	s1 =	sshll.u32 s1, $0x11  }
0xbb: {  	s0 =	sor.u32 s1, s0  }
0xbc: {  	s0 =	sadd.s32 $0x8F2B, s0  }
0xbd: {  	[sflag:s0] =	ssyncadd.remote.s32 $0x1  }
0xbe: {  	_ =	sfence.sel $0xFFFF  }
0xbf: {  	[dreg:$0x0] =	wrdreg $0xFFFFFFFF;
	(pc) =	sbr.abs _section_cstart, $3  }
0xc0: {  	[dreg:$0x1] =	wrdreg $0xFFFFFFFF  }
0xc1: {  	_ =	task.clear_ibuf [dreg:s6], $0x2FFFF;
	_ =	strace $0x9FFFFFFF  }
0xc2: {  	(tm) =	ssettm $0x7FFFFFFF  }
0xc3: {  	_ =	shalt  }
tec
execute0_lowered:
.L_overlay_start_1:
0x0: {  	(tag) =	ssettag $0x1  }
0x1: {  	s9 =	rddreg [dreg:$0x0]  }
0x2: {  	s2 =	rddreg [dreg:$0x1]  }
0x3: {  	s0 =	rddreg [dreg:$0x2]  }
0x4: {  	s3 =	simm.s32 $0x0;
	s4 =	srdreg.scid;
	s1 =	stileid.u32  }
0x5: {  	s14 =	simm.s32 $0x1;
	s15 =	simm.s32 $0x50;
	s16 =	simm.s32 $0xA0  }
0x6: {  	s17 =	simm.s32 $0x19A0;
	[smem:$0x7FF] =	sst s3;
	s10 =	sand.u32 $0x1, s4  }
0x7: {  	s8 =	smul.u32 $0x1900, s1;
	s4 =	sadd.s32 $0xE800, s9;
	s5 =	sadd.s32 $0x4A00, s9  }
0x8: {  	s6 =	sadd.s32 $0x18600, s9;
	s7 =	sadd.s32 $0x31600, s9;
	s13 =	smul.u32 $0x32000, s1  }
0x9: {  	s30 =	sshll.u32 s1, $0x1;
	s31 =	sshll.u32 s1, $0x6;
	_ =	strace $0x8000004D  }
0xa: {  	s11 =	smul.u32 $0x19000, s10;
	s12 =	ssub.s32 $0x2, s10;
	s10 =	sor.u32 s10, s30  }
0xb: {  	s29 =	sshrl.u32 s12, $0x1;
	s13 =	sshrl.u32 s13, $0x2;
	s10 =	smul.u32 $0x7D, s10  }
0xc: {  	s11 =	sadd.s32 s8, s11;
	s8 =	sadd.s32 $0x36600, s9;
	s12 =	ssub.s32 s12, s29  }
0xd: {  	s13 =	sadd.s32 s13, s2;
	s11 =	sadd.s32 s11, s9;
	s9 =	sor.u32 $0x1C01, s31  }
0xe: {  	s12 =	smax.u32 s12, $0x1;
	s13 =	sshrl.u32 s13, $0x3;
	s11 =	sadd.s32 $0x38000, s11  }
.LBB2_1:
0xf: {  	[spmem:s13], [sflag:s9] =	dma.local [hbm:s8], $0x1900  }
0x10: {  	_ =	swait.ge [sflag:s14], $0x1900  }
0x11: {  	[sflag:s14] =	ssyncset.done $0x0  }
0x12: {  	[sflag:s14] =	ssyncadd.s32 $0xFFFFE700  }
0x13: {  	s18 =	simm.s32 $0x0;
	[bflag:$0x0] =	sbarrier.arrive $0xFFFF  }
.LBB2_2:
0x14: {  	s19 =	sadd.s32 s10, s18  }
0x15: {  	s19 =	smul.u32 $0xA, s19;
	_ =	sdelay $0x1  }
0x16: {  	s21 =	simm.s32 $0x0;
	s20 =	sadd.s32 s4, s19  }
0x17: {  	[tilespmem:s21], [sflag:$0x1] =	stream.linear.gather [hbm4b:s20+s21], $0x50, $0x38;
	[tilespmem:$0xE6A0] =	vst v63  }
0x18: {  	_ =	swait.ge [sflag:s14], $0x50  }
0x19: {  	[sflag:s14] =	ssyncset.done $0x0  }
0x1a: {  	s19 =	sadd.s32 s5, s19;
	[sflag:s14] =	ssyncadd.s32 $0xFFFFFFB0  }
0x1b: {  	[tilespmem:s15], [sflag:$0x1] =	stream.linear.gather [hbm4b:s19+s21], $0x50, $0x38;
	[tilespmem:$0xE6A0] =	vst v63  }
0x1c: {  	_ =	swait.ge [sflag:s14], $0x50  }
0x1d: {  	[sflag:s14] =	ssyncset.done $0x0  }
0x1e: {  	[sflag:s14] =	ssyncadd.s32 $0xFFFFFFB0  }
0x1f: {  	[tilespmem:s16], [sflag:$0x1] =	stream.indirect.gather [hbm4b:s6+s15], $0x50, s21, s15, $0xb8;
	[tilespmem:$0xE6A0] =	vst v63  }
0x20: {  	_ =	swait.ge [sflag:s14], $0x1900  }
0x21: {  	[sflag:s14] =	ssyncset.done $0x0  }
0x22: {  	[sflag:s14] =	ssyncadd.s32 $0xFFFFE700  }
0x23: {  	[tilespmem:s17], [sflag:$0x1] =	stream.indirect.gather [hbm4b:s7+s15], $0x10, s15, s15, $0xb8;
	[tilespmem:$0xE6A0] =	vst v63  }
0x24: {  	_ =	swait.ge [sflag:s14], $0x500  }
0x25: {  	[sflag:s14] =	ssyncset.done $0x0  }
0x26: {  	s19 =	simm.s32 $0xC0;
	[sflag:s14] =	ssyncadd.s32 $0xFFFFFB00  }
0x27: {  	s22 =	simm.s32 $0x0;
	s20 =	simm.s32 $0xC0;
	s21 =	simm.s32 $0x40;
	v0 =	vld [tilespmem:s19+$0x20]  }
.LBB2_3:
0x28: {  	p0 =	sne.s32 s21, $0x13C0;
	v1 =	vld [tilespmem:s22+$0x19A0];
	_ =	sdelay $0x4  }
0x29: {  	v0 =	vadd.f32 v1, v0;
	_ =	sdelay $0x1  }
0x2a: {  	v1 =	vmul.f32 $2.000000030e-01, v0  }
0x2b: {  	vm0 =	vgt.f32 v0, $0.0e+00  }
0x2c: {  	v0 =	vsel vm0, v0, v1  }
0x2d: {  	v0 =	vmul.f32 $1.442695020e+00, v0;
	_ =	sdelay $0x1  }
0x2e: {  	(erf) = vpow2.f32 v0;
	_ =	sdelay $0x2  }
0x2f: {  	v0 =	vld [tilespmem:s19+$0xFFFFFFF0]  }
0x30: {  	v1 =	vld [tilespmem:s19+$0x10]  }
0x31: {  	v2 =	vld [tilespmem:s19+$0x0]  }
0x32: {  	v3 =	vld [tilespmem:s19+$0xFFFFFFE0];
	_ =	sdelay $0x2  }
0x33: {  	v4 =	vpop (erf)  }
0x34: {  	[tilespmem:s19+$0x20] =	vst v4;
	v2 =	vmul.f32 v2, v4;
	v1 =	vmul.f32 v1, v4  }
.Ltmp0:
0x35: {  	v0 =	vmul.f32 v4, v0;
	v3 =	vmul.f32 v4, v3;
	(pc) =	sbr.rel @p0 .LBB2_3-.Ltmp0, $4  }
0x36: {  	[tilespmem:s19+$0x10] =	vst v1  }
0x37: {  	[tilespmem:s19+$0x0] =	vst v2  }
0x38: {  	s19 =	sadd.s32 $0x50, s19;
	[tilespmem:s20+$0xFFFFFFF0] =	vst v0  }
0x39: {  	s22 =	sshra.s32 s21, $0x2;
	s21 =	sadd.s32 $0x40, s21;
	v0 =	vld [tilespmem:s19+$0x20];
	[tilespmem:s20+$0xFFFFFFE0] =	vst v3;
	s20 =	smov.u32 s19  }
0x3a: {  	v1 =	vld [tilespmem:s22+$0x19A0];
	_ =	sdelay $0x4  }
0x3b: {  	v0 =	vadd.f32 v1, v0;
	_ =	sdelay $0x1  }
0x3c: {  	v1 =	vmul.f32 $2.000000030e-01, v0  }
0x3d: {  	vm0 =	vgt.f32 v0, $0.0e+00  }
0x3e: {  	v0 =	vsel vm0, v0, v1  }
0x3f: {  	v0 =	vmul.f32 $1.442695020e+00, v0;
	_ =	sdelay $0x1  }
0x40: {  	(erf) = vpow2.f32 v0;
	_ =	sdelay $0x4  }
0x41: {  	v61 =	vld [tilespmem:s19+$0x10]  }
0x42: {  	v62 =	vld [tilespmem:s19+$0x0]  }
0x43: {  	v2 =	vld [tilespmem:s19+$0xFFFFFFF0]  }
0x44: {  	v3 =	vld [tilespmem:s19+$0xFFFFFFE0]  }
0x45: {  	v4 =	vpop (erf)  }
0x46: {  	v0 =	vmul.f32 v61, v4  }
0x47: {  	[tilespmem:s19+$0x20] =	vst v4;
	v1 =	vmul.f32 v62, v4  }
0x48: {  	v2 =	vmul.f32 v4, v2;
	[tilespmem:s19+$0x10] =	vst v0  }
0x49: {  	s18 =	sadd.s32 $0x1, s18;
	v63 =	vmul.f32 v4, v3;
	[tilespmem:s19+$0x0] =	vst v1  }
0x4a: {  	p0 =	sne.s32 s18, $0x7D;
	[tilespmem:s20+$0xFFFFFFF0] =	vst v2  }
.Ltmp1:
0x4b: {  	[tilespmem:s20+$0xFFFFFFE0] =	vst v63;
	(pc) =	sbr.rel @p0 .LBB2_2-.Ltmp1, $4  }
0x4c: {  	[spmem:s2] =	stream.indirect.scatter.add.f32 [tilespmem:s16], [sflag:$0x1], $0x50, s15, s15, $0xb8;
	[tilespmem:$0xE6A0] =	vst v63  }
0x4d: {  	_ =	swait.ge [sflag:s14], $0x1900  }
0x4e: {  	[sflag:s14] =	ssyncset.done $0x0  }
0x4f: {  	[sflag:s14] =	ssyncadd.s32 $0xFFFFE700  }
0x50: {  	s3 =	sadd.s32 $0x1, s3  }
0x51: {  	p0 =	sne.s32 s3, s12  }
.Ltmp2:
0x52: {  	[bflag:$0x0] =	sbarrier.arrive $0xFFFF;
	(pc) =	sbr.rel @p0 .LBB2_1-.Ltmp2, $4  }
0x53: {  	[hbm:s11], [sflag:s9] =	dma.local [spmem:s13], $0x1900  }
0x54: {  	_ =	swait.ge [sflag:s14], $0x1900  }
0x55: {  	[sflag:s14] =	ssyncset.done $0x0  }
0x56: {  	[sflag:s14] =	ssyncadd.s32 $0xFFFFE700  }
0x57: {  	_ =	sfence.sel $0x180000  }
0x58: {  	[bflag:$0x0] =	sbarrier.arrive $0xFFFF  }
0x59: {  	p0 =	sne.s32 s1, $0x0;
	_ =	strace $0x9000004D  }
0x5a: {  	s0 =	sadd.s32 @!p0 $0x100000, s0;
	[bflag:$0x2] =	sbarrier.arrive $0xFFFF  }
0x5b: {  	[sflag:s0] =	ssyncadd.tile.s32 @!p0 $0x1;
	_ =	shalt  }
.Lfunc_end2:
_tile_overlayer_lowered:
.L_overlay_start_2:
0x5c: {  	(tag) =	ssettag $0x2  }
0x5d: {  	s0 =	rddreg [dreg:$0x0];
	s2 =	stileid.u32  }
0x5e: {  	s1 =	rddreg [dreg:$0x1];
	p0 =	sne.s32 s2, $0x0  }
0x5f: {  	s3 =	rddreg [dreg:$0x2];
	[bflag:$0x3] =	sbarrier.arrive $0xFFFF;
	s2 =	simm.s32 @!p0 $0x1C01  }
0x60: {  	[timem:s3], [sflag:s2] =	dma.local @!p0 [hbm:s0], s1  }
0x61: {  	s0 =	simm.s32 @!p0 $0x1  }
0x62: {  	_ =	swait.ge @!p0 [sflag:s0], s1  }
0x63: {  	s1 =	ssub.s32 @!p0 $0x0, s1;
	[sflag:s0] =	ssyncset.done @!p0 $0x0  }
0x64: {  	[sflag:s0] =	ssyncadd.s32 @!p0 s1  }
0x65: {  	[bflag:$0x3] =	sbarrier.arrive $0xFFFF  }
0x66: {  	_ =	shalt  }

// kernel: kernel.8.cloned.1.call-start
scs
__scs_entry_jumppad:
0x0: {  	(pc) =	sbr.rel $0x88, $3  }
0x1: {  	(tag) =	ssettag $0x0;
	lr =	simm.s32 $0x1  }
0x2: {  	[smem:$0x3F8A] =	sst lr;
	_ =	strace $0xD0000000  }
0x3: {  	_ = 	snop  }
0x4: {  	_ = 	snop  }
0x5: {  	_ = 	snop  }
0x6: {  	_ = 	snop  }
0x7: {  	_ = 	snop  }
__scs_overlays_trampoline_lowered:
0x8: {  	[smem:$0x3F99] =	sst s0  }
0x9: {  	[smem:$0x3F9A] =	sst s1  }
0xa: {  	[smem:$0x3F9B] =	sst s2  }
0xb: {  	[smem:$0x3F9C] =	sst s3  }
0xc: {  	[smem:$0x3F9D] =	sst s4  }
0xd: {  	[smem:$0x3F9E] =	sst s5  }
0xe: {  	[smem:$0x3F9F] =	sst s6  }
0xf: {  	[smem:$0x3FA0] =	sst s7  }
0x10: {  	[smem:$0x3FA1] =	sst s8  }
0x11: {  	[smem:$0x3FA2] =	sst s9;
	s0 =	simm.s32 @!p0 $0x0  }
0x12: {  	s1 =	sld [smem:$0x3F88];
	s0 =	simm.s32 @p0 $0x1  }
0x13: {  	[smem:$0x3FA3] =	sst s0;
	s0 =	simm.s32 @!p1 $0x0  }
0x14: {  	s2 =	sld [smem:$0x3F87];
	s0 =	simm.s32 @p1 $0x1  }
0x15: {  	[smem:$0x3FA4] =	sst s0;
	s0 =	simm.s32 @!p2 $0x0  }
0x16: {  	s3 =	sld [smem:$0x3FDB];
	s0 =	simm.s32 @p2 $0x1  }
0x17: {  	s4 =	simm.s32 $0x1BF5;
	[smem:$0x3FA6] =	sst s0  }
0x18: {  	s0 =	sld [smem:$0x3F89];
	_ =	swait.ge [sflag:s4], $0x0  }
0x19: {  	s7 =	sld [smem:$0x3F8A]  }
0x1a: {  	s8 =	sadd.s32 $0xFFFFE003, lr  }
0x1b: {  	s9 =	sadd.s32 $0xFFFFFEF7, lr;
	s5 =	simm.s32 $0xFFFFFFFF;
	p2 =	slt.u32 s8, $0xFFFFF086  }
0x1c: {  	p1 =	slt.u32 s9, $0xF7A;
	s5 =	simm.s32 @!p2 $0x0  }
0x1d: {  	s5 =	simm.s32 @p1 $0x1;
	p0 =	seq.s32 s7, s2  }
0x1e: {  	s7 =	smul.u32 @!p0 $0xF7A, s2;
	p2 =	seq.s32 @!p0 s5, $0x0  }
0x1f: {  	s9 =	smul.u32 $0xF7A, s1;
	s8 =	simm.s32 @!p0 $0x1BF5;
	p2 =	por !p2, p0  }
0x20: {  	[sflag:s8] =	ssyncset.s32 @!p0 $0xFFFFF086;
	s6 =	sadd.s32 @!p0 s3, s7;
	s7 =	simm.s32 @!p0 $0x108  }
0x21: {  	s3 =	sadd.s32 s3, s9;
	s6 =	sadd.s32 @!p0 $0x88, s6;
	s7 =	simm.s32 @p2 $0x1082  }
0x22: {  	[simem:s7], [sflag:s8] =	dma.local @!p0 [hbm:s6], $0xF7A  }
0x23: {  	s9 =	sor.u32 $0xD0000000, s2;
	s6 =	simm.s32 $0x108;
	_ =	swait.ge @!p0 [sflag:s8], $0x0  }
0x24: {  	s3 =	sadd.s32 $0x88, s3;
	s6 =	simm.s32 @!p1 $0x1082;
	[sflag:s4] =	ssyncset.s32 $0xFFFFF086  }
0x25: {  	[simem:s6], [sflag:s4] =	dma.local [hbm:s3], $0xF7A  }
0x26: {  	[smem:$0x3F8A] =	sst s1;
	(tag) =	ssettag s2;
	_ =	strace s9  }
0x27: {  	s1 =	sld [smem:$0x3F9A]  }
0x28: {  	s2 =	sld [smem:$0x3F9B]  }
0x29: {  	s4 =	sld [smem:$0x3F9D]  }
0x2a: {  	p0 =	seq.s32 s5, $0x0;
	s5 =	sld [smem:$0x3F9E]  }
0x2b: {  	s6 =	sld [smem:$0x3F9F]  }
0x2c: {  	s7 =	sld [smem:$0x3FA0]  }
0x2d: {  	s3 =	simm.s32 $0x108;
	s8 =	sld [smem:$0x3FA1]  }
0x2e: {  	s3 =	simm.s32 @!p0 $0x1082;
	s9 =	sld [smem:$0x3FA2]  }
0x2f: {  	lr =	sadd.s32 s0, s3;
	s0 =	sld [smem:$0x3F99]  }
0x30: {  	s3 =	sld [smem:$0x3F9C]  }
0x31: {  	[smem:$0x3FA5] =	sst s10  }
0x32: {  	s10 =	sld [smem:$0x3FA3];
	_ =	sdelay $0x3  }
0x33: {  	p0 =	seq.s32 s10, $0x1;
	s10 =	sld [smem:$0x3FA5];
	_ =	sdelay $0x3  }
0x34: {  	[smem:$0x3FA5] =	sst s10  }
0x35: {  	s10 =	sld [smem:$0x3FA4];
	_ =	sdelay $0x3  }
0x36: {  	p1 =	seq.s32 s10, $0x1;
	s10 =	sld [smem:$0x3FA5];
	_ =	sdelay $0x3  }
0x37: {  	[smem:$0x3FA5] =	sst s10  }
0x38: {  	s10 =	sld [smem:$0x3FA6]  }
0x39: {  	_ = 	snop;
	(pc) =	sbr.ind lr, $3  }
0x3a: {  	_ = 	snop  }
0x3b: {  	_ = 	snop  }
0x3c: {  	p2 =	seq.s32 s10, $0x1;
	s10 =	sld [smem:$0x3FA5]  }
0x3d: {  	_ =	shalt  }
0x3e: {  	_ =	shalt  }
0x3f: {  	_ =	shalt  }
0x40: {  	_ =	shalt  }
0x41: {  	_ =	shalt  }
0x42: {  	_ =	shalt  }
0x43: {  	_ =	shalt  }
0x44: {  	_ =	shalt  }
0x45: {  	_ =	shalt  }
0x46: {  	_ =	shalt  }
0x47: {  	_ =	shalt  }
0x48: {  	_ =	shalt  }
0x49: {  	_ =	shalt  }
0x4a: {  	_ =	shalt  }
0x4b: {  	_ =	shalt  }
0x4c: {  	_ =	shalt  }
0x4d: {  	_ =	shalt  }
0x4e: {  	_ =	shalt  }
0x4f: {  	_ =	shalt  }
0x50: {  	_ =	shalt  }
0x51: {  	_ =	shalt  }
0x52: {  	_ =	shalt  }
0x53: {  	_ =	shalt  }
0x54: {  	_ =	shalt  }
0x55: {  	_ =	shalt  }
0x56: {  	_ =	shalt  }
0x57: {  	_ =	shalt  }
0x58: {  	_ =	shalt  }
0x59: {  	_ =	shalt  }
0x5a: {  	_ =	shalt  }
0x5b: {  	_ =	shalt  }
0x5c: {  	_ =	shalt  }
0x5d: {  	_ =	shalt  }
0x5e: {  	_ =	shalt  }
0x5f: {  	_ =	shalt  }
0x60: {  	_ =	shalt  }
0x61: {  	_ =	shalt  }
0x62: {  	_ =	shalt  }
0x63: {  	_ =	shalt  }
0x64: {  	_ =	shalt  }
0x65: {  	_ =	shalt  }
0x66: {  	_ =	shalt  }
0x67: {  	_ =	shalt  }
0x68: {  	_ =	shalt  }
0x69: {  	_ =	shalt  }
0x6a: {  	_ =	shalt  }
0x6b: {  	_ =	shalt  }
0x6c: {  	_ =	shalt  }
0x6d: {  	_ =	shalt  }
0x6e: {  	_ =	shalt  }
0x6f: {  	_ =	shalt  }
0x70: {  	_ =	shalt  }
0x71: {  	_ =	shalt  }
0x72: {  	_ =	shalt  }
0x73: {  	_ =	shalt  }
0x74: {  	_ =	shalt  }
0x75: {  	_ =	shalt  }
0x76: {  	_ =	shalt  }
0x77: {  	_ =	shalt  }
0x78: {  	_ =	shalt  }
0x79: {  	_ =	shalt  }
0x7a: {  	_ =	shalt  }
0x7b: {  	_ =	shalt  }
0x7c: {  	_ =	shalt  }
0x7d: {  	_ =	shalt  }
0x7e: {  	_ =	shalt  }
0x7f: {  	_ =	shalt  }
0x80: {  	_ =	shalt  }
0x81: {  	_ =	shalt  }
0x82: {  	_ =	shalt  }
0x83: {  	_ =	shalt  }
0x84: {  	_ =	shalt  }
0x85: {  	_ =	shalt  }
0x86: {  	_ =	shalt  }
0x87: {  	_ =	shalt  }
.Lfunc_end0:
.L_simem_size_0:
called_computation_lowered:
.L_overlay_start_0:
0x88: {  	s2 =	sld [smem:$0x3FD9]  }
0x89: {  	s3 =	sld [smem:$0x3FFE];
	_ =	sdelay $0x1  }
0x8a: {  	s1 =	srdreg.scid  }
0x8b: {  	s0 =	sand.u32 $0x1, s1  }
0x8c: {  	s14 =	sshll.u32 s0, $0xA;
	s2 =	sadd.s32 s3, s2  }
0x8d: {  	s2 =	sadd.s32 s2, s14  }
0x8e: {  	[smem:$0x3FB1] =	sst s2  }
0x8f: {  	_ = 	snop  }
0x90: {  	s2 =	sld [smem:$0x3FD0];
	_ =	sdelay $0x2  }
0x91: {  	s15 =	simm.s32 $0xA;
	s4 =	simm.s32 $0x10  }
0x92: {  	[smem:s4], [sflag:s15] =	dma.local [hbm:s2], $0x1  }
0x93: {  	_ =	swait.eq [sflag:s15], $0x1  }
0x94: {  	[sflag:s15] =	ssyncset.done $0x0  }
0x95: {  	[sflag:s15] =	ssyncadd.s32 $0xFFFFFFFF  }
0x96: {  	s16 =	sld [smem:$0x11];
	(tm) =	ssettm $0x1  }
0x97: {  	s17 =	sld [smem:$0x3FFB];
	_ =	sdelay $0x3  }
0x98: {  	_ =	strace s17  }
0x99: {  	s3 =	sld [smem:$0x3FFC];
	_ =	sdelay $0x3  }
0x9a: {  	_ =	strace s3  }
0x9b: {  	s3 =	sld [smem:$0x3FFD];
	_ =	sdelay $0x3  }
0x9c: {  	_ =	strace s3  }
0x9d: {  	_ =	strace $0x8FFFFFFF  }
0x9e: {  	s18 =	sld [smem:$0x3FDB];
	_ =	sdelay $0x1  }
0x9f: {  	s19 =	simm.s32 $_scs_section_size  }
0xa0: {  	s5 =	simm.s32 $_size__tile_overlayer_lowered;
	s6 =	simm.s32 $_tile_overlayer_lowered  }
0xa1: {  	s22 =	simm.s32 $0x1BFF;
	s21 =	sshll.u32 s6, $0x1;
	s3 =	sadd.s32 s19, s18  }
0xa2: {  	s7 =	simm.s32 $0x0;
	s20 =	sshll.u32 s5, $0x1;
	s5 =	sadd.s32 s21, s3  }
0xa3: {  	[timem:s7], [sflag:s22] =	dma.local [hbm:s5], s20  }
0xa4: {  	_ =	swait.ge [sflag:s22], s20  }
0xa5: {  	s4 =	ssub.s32 $0x0, s20;
	[sflag:s22] =	ssyncset.done $0x0  }
0xa6: {  	[sflag:s22] =	ssyncadd.s32 s4;
	_ =	sdelay $0x1  }
0xa7: {  	s23 =	simm.s32 $0x1B8B  }
0xa8: {  	_ =	swait.ge [sflag:s23], $0x1  }
0xa9: {  	[sflag:s23] =	ssyncset.done $0x0  }
0xaa: {  	s25 =	simm.s32 $0x1B8E;
	s24 =	sld [smem:$0x3FFE];
	[sflag:s23] =	ssyncadd.s32 $0xFFFFFFFF  }
0xab: {  	s26 =	simm.s32 $execute0_lowered;
	[smem:$0x3FD2] =	sst s25  }
0xac: {  	s5 =	sshll.u32 s26, $0x1;
	_ =	strace $0x80000046;
	[dreg:$0x1] =	wrdreg $0xFFFFFFFF  }
0xad: {  	s28 =	simm.s32 $_size_execute0_lowered;
	s3 =	sadd.s32 s3, s5;
	[dreg:$0x0] =	wrdreg $0x0  }
0xae: {  	s5 =	sshll.u32 s28, $0x1;
	[dreg:$0x2] =	wrdreg s3  }
0xaf: {  	[dreg:$0x3] =	wrdreg s5  }
0xb0: {  	[dreg:$0x4] =	wrdreg $0xC0  }
0xb1: {  	_ =	task [dreg:s7], $0x5FFFF  }
0xb2: {  	[dreg:$0x1] =	wrdreg $0xFFFFFFFF  }
0xb3: {  	[dreg:$0x0] =	wrdreg $0x60  }
0xb4: {  	[dreg:$0x2] =	wrdreg s24  }
0xb5: {  	[dreg:$0x3] =	wrdreg s16  }
0xb6: {  	[dreg:$0x4] =	wrdreg $0xA00  }
0xb7: {  	[dreg:$0x5] =	wrdreg $0x9  }
0xb8: {  	_ =	task.clear_ibuf [dreg:s7], $0x6FFFF;
	_ =	strace $0x90000046  }
0xb9: {  	s29 =	simm.s32 $0x9;
	_ =	strace $0x80000048  }
0xba: {  	_ =	swait.ge [sflag:s29], $0x1  }
0xbb: {  	[sflag:s29] =	ssyncadd.s32 $0xFFFFFFFF  }
0xbc: {  	_ =	strace $0x90000048  }
0xbd: {  	_ =	sfence  }
0xbe: {  	s30 =	sld [smem:$0x0];
	_ =	sdelay $0x2  }
0xbf: {  	s31 =	sshll.u32 s1, $0xD;
	s1 =	sshrl.u32 s1, $0x2  }
0xc0: {  	s3 =	sand.u32 $0x4000, s31;
	s1 =	sadd.s32 s1, s30  }
0xc1: {  	s0 =	sor.u32 s3, s0;
	s1 =	sshll.u32 s1, $0x11  }
0xc2: {  	s0 =	sor.u32 s1, s0  }
0xc3: {  	s0 =	sadd.s32 $0x8F2B, s0  }
0xc4: {  	[sflag:s0] =	ssyncadd.remote.s32 $0x1  }
0xc5: {  	_ =	sfence.sel $0xFFFF  }
0xc6: {  	[dreg:$0x0] =	wrdreg $0xFFFFFFFF;
	(pc) =	sbr.abs _section_cstart, $3  }
0xc7: {  	[dreg:$0x1] =	wrdreg $0xFFFFFFFF  }
0xc8: {  	_ =	task.clear_ibuf [dreg:s7], $0x2FFFF;
	_ =	strace $0x9FFFFFFF  }
0xc9: {  	(tm) =	ssettm $0x7FFFFFFF  }
tec
execute0_lowered:
.L_overlay_start_1:
0x0: {  	(tag) =	ssettag $0x1  }
0x1: {  	s5 =	rddreg [dreg:$0x0]  }
0x2: {  	s2 =	rddreg [dreg:$0x1];
	s0 =	stileid.u32  }
0x3: {  	s1 =	srdreg.scid;
	s3 =	rddreg [dreg:$0x2];
	s4 =	simm.s32 $0x0  }
0x4: {  	s6 =	sand.u32 $0x1, s1;
	s7 =	smul.u32 $0x280, s0;
	s1 =	rddreg [dreg:$0x3]  }
0x5: {  	[smem:$0x7FF] =	sst s4;
	s9 =	smul.u32 $0x9C4, s0  }
0x6: {  	s30 =	sshll.u32 s0, $0x6;
	s8 =	smul.u32 $0x2800, s6;
	_ =	strace $0x80000047  }
0x7: {  	s10 =	ssub.s32 $0x2, s6;
	s11 =	smul.u32 $0x4E2, s6;
	s9 =	sadd.s32 s9, s5  }
0x8: {  	s29 =	sshrl.u32 s10, $0x1;
	s12 =	sadd.s32 s7, s3;
	s8 =	sadd.s32 s7, s8  }
0x9: {  	s10 =	ssub.s32 s10, s29;
	s31 =	sadd.s32 s11, s9;
	s9 =	sshrl.u32 s12, $0x3  }
0xa: {  	s11 =	simm.s32 $0x50;
	s12 =	simm.s32 $0x0;
	s8 =	sshrl.u32 s8, $0x3  }
0xb: {  	s7 =	smax.u32 s10, $0x1;
	s10 =	simm.s32 $0x1;
	s8 =	sadd.s32 s8, s5  }
0xc: {  	v0 =	vimm.f32 $1.000000000e+00;
	s5 =	sor.u32 $0x1C01, s30;
	s6 =	sadd.s32 $0x18600, s8;
	s8 =	sadd.s32 $0x4A00, s31  }
.LBB2_1:
0xd: {  	[tilespmem:$0x50] =	vst v0  }
0xe: {  	[tilespmem:$0x60] =	vst v0  }
0xf: {  	[tilespmem:$0x70] =	vst v0  }
0x10: {  	[tilespmem:$0x80] =	vst v0  }
0x11: {  	[tilespmem:$0x90] =	vst v0  }
0x12: {  	[spmem:s9], [sflag:s5] =	dma.local [hbm:s2], $0x50  }
0x13: {  	_ =	swait.ge [sflag:s10], $0x50  }
0x14: {  	[sflag:s10] =	ssyncset.done $0x0  }
0x15: {  	[sflag:s10] =	ssyncadd.s32 $0xFFFFFFB0  }
0x16: {  	s13 =	sadd.s32 $0x0, s8;
	[bflag:$0x0] =	sbarrier.arrive $0xFFFF  }
0x17: {  	[tilespmem:s4], [sflag:$0x1] =	stream.linear.gather [hbm4b:s13+s4], $0x50, $0x38;
	[tilespmem:$0x320] =	vst v63  }
0x18: {  	_ =	swait.ge [sflag:s10], $0x50  }
0x19: {  	[sflag:s10] =	ssyncset.done $0x0  }
0x1a: {  	[sflag:s10] =	ssyncadd.s32 $0xFFFFFFB0  }
0x1b: {  	[spmem:s3] =	stream.indirect.scatter.add.f32 [tilespmem:s11], [sflag:$0x1], $0x1, s4, s11, $0xb8;
	[tilespmem:$0x320] =	vst v63  }
0x1c: {  	_ =	swait.ge [sflag:s10], $0x50  }
0x1d: {  	s14 =	simm.s32 $0x14;
	s13 =	simm.s32 $0xA;
	[sflag:s10] =	ssyncset.done $0x0  }
.LBB2_2:
0x1e: {  	s15 =	sadd.s32 s13, s8  }
0x1f: {  	[sflag:s10] =	ssyncadd.s32 $0xFFFFFFB0;
	s13 =	smov.u32 s14;
	s16 =	sadd.s32 $0xA, s14  }
0x20: {  	[tilespmem:s4], [sflag:$0x1] =	stream.linear.gather [hbm4b:s15+s4], $0x50, $0x38;
	[tilespmem:$0x320] =	vst v63  }
0x21: {  	p0 =	sne.s32 s14, $0x4D8;
	_ =	swait.ge [sflag:s10], $0x50  }
.Ltmp0:
0x22: {  	[sflag:s10] =	ssyncset.done $0x0;
	(pc) =	sbr.rel @p0 .LBB2_2-.Ltmp0, $4  }
0x23: {  	[sflag:s10] =	ssyncadd.s32 $0xFFFFFFB0  }
0x24: {  	[spmem:s3] =	stream.indirect.scatter.add.f32 [tilespmem:s11], [sflag:$0x1], $0x1, s4, s11, $0xb8;
	[tilespmem:$0x320] =	vst v63  }
0x25: {  	_ =	swait.ge [sflag:s10], $0x50  }
0x26: {  	s14 =	smov.u32 s16;
	[sflag:s10] =	ssyncset.done $0x0  }
0x27: {  	s13 =	sadd.s32 s13, s8;
	[sflag:s10] =	ssyncadd.s32 $0xFFFFFFB0  }
0x28: {  	[tilespmem:s4], [sflag:$0x1] =	stream.linear.gather [hbm4b:s13+s4], $0x50, $0x38;
	[tilespmem:$0x320] =	vst v63  }
0x29: {  	_ =	swait.ge [sflag:s10], $0x50  }
0x2a: {  	[sflag:s10] =	ssyncset.done $0x0  }
0x2b: {  	[sflag:s10] =	ssyncadd.s32 $0xFFFFFFB0  }
0x2c: {  	[spmem:s3] =	stream.indirect.scatter.add.f32 [tilespmem:s11], [sflag:$0x1], $0x1, s4, s11, $0xb8;
	[tilespmem:$0x320] =	vst v63  }
0x2d: {  	_ =	swait.ge [sflag:s10], $0x50  }
0x2e: {  	s12 =	sadd.s32 $0x1, s12;
	[sflag:s10] =	ssyncset.done $0x0  }
0x2f: {  	p0 =	sne.s32 s12, s7;
	[sflag:s10] =	ssyncadd.s32 $0xFFFFFFB0  }
.Ltmp1:
0x30: {  	[bflag:$0x0] =	sbarrier.arrive $0xFFFF;
	(pc) =	sbr.rel @p0 .LBB2_1-.Ltmp1, $4  }
0x31: {  	[hbm:s6], [sflag:s5] =	dma.local [spmem:s9], $0x50  }
0x32: {  	_ =	swait.ge [sflag:s10], $0x50  }
0x33: {  	[sflag:s10] =	ssyncset.done $0x0  }
0x34: {  	[sflag:s10] =	ssyncadd.s32 $0xFFFFFFB0  }
0x35: {  	_ =	sfence.sel $0x180000  }
0x36: {  	[bflag:$0x0] =	sbarrier.arrive $0xFFFF  }
0x37: {  	p0 =	sne.s32 s0, $0x0;
	_ =	strace $0x90000047  }
0x38: {  	s0 =	sadd.s32 @!p0 $0x100000, s1;
	[bflag:$0x2] =	sbarrier.arrive $0xFFFF  }
0x39: {  	[sflag:s0] =	ssyncadd.tile.s32 @!p0 $0x1;
	_ =	shalt  }
.Lfunc_end2:
_tile_overlayer_lowered:
.L_overlay_start_2:
0x3a: {  	(tag) =	ssettag $0x2  }
0x3b: {  	s0 =	rddreg [dreg:$0x0];
	s2 =	stileid.u32  }
0x3c: {  	s1 =	rddreg [dreg:$0x1];
	p0 =	sne.s32 s2, $0x0  }
0x3d: {  	s3 =	rddreg [dreg:$0x2];
	[bflag:$0x3] =	sbarrier.arrive $0xFFFF;
	s2 =	simm.s32 @!p0 $0x1C01  }
0x3e: {  	[timem:s3], [sflag:s2] =	dma.local @!p0 [hbm:s0], s1  }
0x3f: {  	s0 =	simm.s32 @!p0 $0x1  }
0x40: {  	_ =	swait.ge @!p0 [sflag:s0], s1  }
0x41: {  	s1 =	ssub.s32 @!p0 $0x0, s1;
	[sflag:s0] =	ssyncset.done @!p0 $0x0  }
0x42: {  	[sflag:s0] =	ssyncadd.s32 @!p0 s1  }
0x43: {  	[bflag:$0x3] =	sbarrier.arrive $0xFFFF  }
0x44: {  	_ =	shalt  }

</sc_bundles>
